<compile_context>
chip_gen: v7x
topology: tpu7x:2x2x1
jax: 0.10.2.dev20260603
libtpu: 0.0.44.dev20260713+nightly
codegen_flags: <defaults>
</compile_context>

<pallas_src>
import functools

import jax
import jax.numpy as jnp
from jax import lax
from jax.experimental import pallas as pl
from jax.experimental.pallas import tpu as pltpu
from jax.experimental.pallas import tpu_sc as plsc

BATCH = 16384
MAX_LEN = 150
GRID = 4
BLOCK_COLS = BATCH // GRID
NW = 32
SC_COLS = BATCH // NW


def _tc_body(x_ref, ids_ref, mask_ref):
    x = x_ref[...]
    ids_ref[...] = x
    mask_ref[...] = jnp.where(x == 0, 0, 1).astype(jnp.int32)


def _sc_zero_body(out_hbm, zbuf):
    wid = lax.axis_index("s") * 2 + lax.axis_index("c")

    def zrow(r, _):
        for j in range(SC_COLS // 16):
            zbuf[r, pl.ds(j * 16, 16)] = jnp.zeros((16,), jnp.int32)
        return 0

    lax.fori_loop(0, MAX_LEN, zrow, 0, unroll=2)
    pltpu.sync_copy(zbuf, out_hbm.at[:, pl.ds(wid * SC_COLS, SC_COLS)])


def kernel(inputs):
    xt = inputs.T
    spec = pl.BlockSpec((MAX_LEN, BLOCK_COLS), lambda i: (0, i))
    out_shape = jax.ShapeDtypeStruct((MAX_LEN, BATCH), jnp.int32)
    ids, mask = pl.pallas_call(
        _tc_body,
        grid=(GRID,),
        in_specs=[spec],
        out_specs=[spec, spec],
        out_shape=[out_shape, out_shape],
        compiler_params=pltpu.CompilerParams(
            dimension_semantics=("arbitrary",),
        ),
    )(xt)
    mesh = plsc.VectorSubcoreMesh(core_axis_name="c", subcore_axis_name="s")
    type_ids = functools.partial(
        pl.kernel,
        mesh=mesh,
        out_type=out_shape,
        scratch_types=[pltpu.VMEM((MAX_LEN, SC_COLS), jnp.int32)],
    )(_sc_zero_body)()
    return (ids.T, mask.T, type_ids.T)

# --- scband reference (transcript-rebuilt; emitter-appended) ---
"""Pipeline reference for scband-bert-ed-32873679683769 (READ-ONLY COPY).

The authoritative reference and input builder live on the scoring server;
editing this copy changes nothing except your own understanding.
"""

import jax, jax.numpy as jnp
import numpy as np

BATCH = 16384
MAX_LEN = 150
MAX_TOKENS = 1000000


def setup_inputs(seed: int = 0) -> dict:
    key = jax.random.key(seed)
    # The original layer runs TextVectorization on raw strings to produce int token ids.
    # String processing is not expressible in jax, so the reference starts from the
    # already-vectorized token ids (output of self._encode), which is the tensor side
    # of the computation: ids in [0, max_tokens), 0 = padding.
    inputs = jax.random.randint(key, (BATCH, MAX_LEN), 0, MAX_TOKENS, dtype=jnp.int32)
    return {"inputs": inputs}


def reference(inputs):
    # sample['input_word_ids'] = tf.cast(self._encode(input), tf.int32)
    input_word_ids = inputs.astype(jnp.int32)
    # sample['input_mask'] = tf.where(tf.equal(ids, 0), 0, 1)
    input_mask = jnp.where(
        input_word_ids == 0,
        jnp.zeros_like(input_word_ids),
        jnp.ones_like(input_word_ids),
    )
    # sample['input_type_ids'] = tf.zeros_like(ids, dtype=tf.int32)
    input_type_ids = jnp.zeros_like(input_word_ids, dtype=jnp.int32)
    return (input_word_ids, input_mask, input_type_ids)

if __name__ == "__main__":
    import jax
    _d = setup_inputs()
    print(jax.jit(kernel)(*tuple(_d.values())))

</pallas_src>

<mosaic_0001>
#map = affine_map<(d0, d1) -> (0, 0)>
module attributes {stable_mosaic.version = 14 : i64} {
  func.func @_sc_zero_body(%arg0: i32, %arg1: i32, %arg2: memref<150x16384xi32, #tpu.memory_space<hbm>>, %arg3: memref<150x512xi32, #tpu.memory_space<vmem>>) attributes {dimension_semantics = [#tpu.dimension_semantics<core_parallel>, #tpu.dimension_semantics<subcore_parallel>], iteration_bounds = array<i64: 2, 16>, scalar_prefetch = 0 : i64, scratch_operands = 1 : i64, tpu.core_type = #tpu.core_type<sc_vector_subcore>, window_params = [{transform_indices = #map}]} {
    %mul3A = arith.constant 2 : i32
    %mul3A_0 = arith.muli %arg1, %mul3A : i32
    %add3A = arith.addi %mul3A_0, %arg0 : i32
    %scan3A = arith.constant 0 : i32
    %scan3A_1 = arith.constant 0 : i32
    %scan3A_2 = arith.constant 150 : i32
    %scan3A_3 = arith.addi %scan3A_1, %scan3A_2 : i32
    %scan3A_4 = arith.constant 2 : i32
    %scan3A_5 = scf.for %scan3A_9 = %scan3A_1 to %scan3A_3 step %scan3A_4 iter_args(%scan3A_10 = %scan3A) -> (i32)  : i32 {
      %broadcast_in_dim3A = arith.constant 0 : i32
      %broadcast_in_dim3A_11 = vector.broadcast %broadcast_in_dim3A : i32 to vector<16xi32>
      %swap3A = arith.index_cast %scan3A_9 : i32 to index
      %swap3A_12 = arith.constant 0 : index
      %swap3A_13 = tpu.vector_load %arg3[%swap3A, %swap3A_12] {strides = array<i32>} : memref<150x512xi32, #tpu.memory_space<vmem>>, vector<1x16xi32>,
      %swap3A_14 = vector.shape_cast %swap3A_13 : vector<1x16xi32> to vector<16xi32>
      %swap3A_15 = vector.shape_cast %broadcast_in_dim3A_11 : vector<16xi32> to vector<1x16xi32>
      tpu.vector_store %arg3[%swap3A, %swap3A_12], %swap3A_15 {strides = array<i32>} : memref<150x512xi32, #tpu.memory_space<vmem>>, vector<1x16xi32>,
      %broadcast_in_dim3A_16 = arith.constant 0 : i32
      %broadcast_in_dim3A_17 = vector.broadcast %broadcast_in_dim3A_16 : i32 to vector<16xi32>
      %swap3A_18 = arith.index_cast %scan3A_9 : i32 to index
      %swap3A_19 = arith.constant 16 : index
      %swap3A_20 = tpu.vector_load %arg3[%swap3A_18, %swap3A_19] {strides = array<i32>} : memref<150x512xi32, #tpu.memory_space<vmem>>, vector<1x16xi32>,
      %swap3A_21 = vector.shape_cast %swap3A_20 : vector<1x16xi32> to vector<16xi32>
      %swap3A_22 = vector.shape_cast %broadcast_in_dim3A_17 : vector<16xi32> to vector<1x16xi32>
      tpu.vector_store %arg3[%swap3A_18, %swap3A_19], %swap3A_22 {strides = array<i32>} : memref<150x512xi32, #tpu.memory_space<vmem>>, vector<1x16xi32>,
      %broadcast_in_dim3A_23 = arith.constant 0 : i32
      %broadcast_in_dim3A_24 = vector.broadcast %broadcast_in_dim3A_23 : i32 to vector<16xi32>
      %swap3A_25 = arith.index_cast %scan3A_9 : i32 to index
      %swap3A_26 = arith.constant 32 : index
      %swap3A_27 = tpu.vector_load %arg3[%swap3A_25, %swap3A_26] {strides = array<i32>} : memref<150x512xi32, #tpu.memory_space<vmem>>, vector<1x16xi32>,
      %swap3A_28 = vector.shape_cast %swap3A_27 : vector<1x16xi32> to vector<16xi32>
      %swap3A_29 = vector.shape_cast %broadcast_in_dim3A_24 : vector<16xi32> to vector<1x16xi32>
      tpu.vector_store %arg3[%swap3A_25, %swap3A_26], %swap3A_29 {strides = array<i32>} : memref<150x512xi32, #tpu.memory_space<vmem>>, vector<1x16xi32>,
      %broadcast_in_dim3A_30 = arith.constant 0 : i32
      %broadcast_in_dim3A_31 = vector.broadcast %broadcast_in_dim3A_30 : i32 to vector<16xi32>
      %swap3A_32 = arith.index_cast %scan3A_9 : i32 to index
      %swap3A_33 = arith.constant 48 : index
      %swap3A_34 = tpu.vector_load %arg3[%swap3A_32, %swap3A_33] {strides = array<i32>} : memref<150x512xi32, #tpu.memory_space<vmem>>, vector<1x16xi32>,
      %swap3A_35 = vector.shape_cast %swap3A_34 : vector<1x16xi32> to vector<16xi32>
      %swap3A_36 = vector.shape_cast %broadcast_in_dim3A_31 : vector<16xi32> to vector<1x16xi32>
      tpu.vector_store %arg3[%swap3A_32, %swap3A_33], %swap3A_36 {strides = array<i32>} : memref<150x512xi32, #tpu.memory_space<vmem>>, vector<1x16xi32>,
      %broadcast_in_dim3A_37 = arith.constant 0 : i32
      %broadcast_in_dim3A_38 = vector.broadcast %broadcast_in_dim3A_37 : i32 to vector<16xi32>
      %swap3A_39 = arith.index_cast %scan3A_9 : i32 to index
      %swap3A_40 = arith.constant 64 : index
      %swap3A_41 = tpu.vector_load %arg3[%swap3A_39, %swap3A_40] {strides = array<i32>} : memref<150x512xi32, #tpu.memory_space<vmem>>, vector<1x16xi32>,
      %swap3A_42 = vector.shape_cast %swap3A_41 : vector<1x16xi32> to vector<16xi32>
      %swap3A_43 = vector.shape_cast %broadcast_in_dim3A_38 : vector<16xi32> to vector<1x16xi32>
      tpu.vector_store %arg3[%swap3A_39, %swap3A_40], %swap3A_43 {strides = array<i32>} : memref<150x512xi32, #tpu.memory_space<vmem>>, vector<1x16xi32>,
      %broadcast_in_dim3A_44 = arith.constant 0 : i32
      %broadcast_in_dim3A_45 = vector.broadcast %broadcast_in_dim3A_44 : i32 to vector<16xi32>
      %swap3A_46 = arith.index_cast %scan3A_9 : i32 to index
      %swap3A_47 = arith.constant 80 : index
      %swap3A_48 = tpu.vector_load %arg3[%swap3A_46, %swap3A_47] {strides = array<i32>} : memref<150x512xi32, #tpu.memory_space<vmem>>, vector<1x16xi32>,
      %swap3A_49 = vector.shape_cast %swap3A_48 : vector<1x16xi32> to vector<16xi32>
      %swap3A_50 = vector.shape_cast %broadcast_in_dim3A_45 : vector<16xi32> to vector<1x16xi32>
      tpu.vector_store %arg3[%swap3A_46, %swap3A_47], %swap3A_50 {strides = array<i32>} : memref<150x512xi32, #tpu.memory_space<vmem>>, vector<1x16xi32>,
      %broadcast_in_dim3A_51 = arith.constant 0 : i32
      %broadcast_in_dim3A_52 = vector.broadcast %broadcast_in_dim3A_51 : i32 to vector<16xi32>
      %swap3A_53 = arith.index_cast %scan3A_9 : i32 to index
      %swap3A_54 = arith.constant 96 : index
      %swap3A_55 = tpu.vector_load %arg3[%swap3A_53, %swap3A_54] {strides = array<i32>} : memref<150x512xi32, #tpu.memory_space<vmem>>, vector<1x16xi32>,
      %swap3A_56 = vector.shape_cast %swap3A_55 : vector<1x16xi32> to vector<16xi32>
      %swap3A_57 = vector.shape_cast %broadcast_in_dim3A_52 : vector<16xi32> to vector<1x16xi32>
      tpu.vector_store %arg3[%swap3A_53, %swap3A_54], %swap3A_57 {strides = array<i32>} : memref<150x512xi32, #tpu.memory_space<vmem>>, vector<1x16xi32>,
      %broadcast_in_dim3A_58 = arith.constant 0 : i32
      %broadcast_in_dim3A_59 = vector.broadcast %broadcast_in_dim3A_58 : i32 to vector<16xi32>
      %swap3A_60 = arith.index_cast %scan3A_9 : i32 to index
      %swap3A_61 = arith.constant 112 : index
      %swap3A_62 = tpu.vector_load %arg3[%swap3A_60, %swap3A_61] {strides = array<i32>} : memref<150x512xi32, #tpu.memory_space<vmem>>, vector<1x16xi32>,
      %swap3A_63 = vector.shape_cast %swap3A_62 : vector<1x16xi32> to vector<16xi32>
      %swap3A_64 = vector.shape_cast %broadcast_in_dim3A_59 : vector<16xi32> to vector<1x16xi32>
      tpu.vector_store %arg3[%swap3A_60, %swap3A_61], %swap3A_64 {strides = array<i32>} : memref<150x512xi32, #tpu.memory_space<vmem>>, vector<1x16xi32>,
      %broadcast_in_dim3A_65 = arith.constant 0 : i32
      %broadcast_in_dim3A_66 = vector.broadcast %broadcast_in_dim3A_65 : i32 to vector<16xi32>
      %swap3A_67 = arith.index_cast %scan3A_9 : i32 to index
      %swap3A_68 = arith.constant 128 : index
      %swap3A_69 = tpu.vector_load %arg3[%swap3A_67, %swap3A_68] {strides = array<i32>} : memref<150x512xi32, #tpu.memory_space<vmem>>, vector<1x16xi32>,
      %swap3A_70 = vector.shape_cast %swap3A_69 : vector<1x16xi32> to vector<16xi32>
      %swap3A_71 = vector.shape_cast %broadcast_in_dim3A_66 : vector<16xi32> to vector<1x16xi32>
      tpu.vector_store %arg3[%swap3A_67, %swap3A_68], %swap3A_71 {strides = array<i32>} : memref<150x512xi32, #tpu.memory_space<vmem>>, vector<1x16xi32>,
      %broadcast_in_dim3A_72 = arith.constant 0 : i32
      %broadcast_in_dim3A_73 = vector.broadcast %broadcast_in_dim3A_72 : i32 to vector<16xi32>
      %swap3A_74 = arith.index_cast %scan3A_9 : i32 to index
      %swap3A_75 = arith.constant 144 : index
      %swap3A_76 = tpu.vector_load %arg3[%swap3A_74, %swap3A_75] {strides = array<i32>} : memref<150x512xi32, #tpu.memory_space<vmem>>, vector<1x16xi32>,
      %swap3A_77 = vector.shape_cast %swap3A_76 : vector<1x16xi32> to vector<16xi32>
      %swap3A_78 = vector.shape_cast %broadcast_in_dim3A_73 : vector<16xi32> to vector<1x16xi32>
      tpu.vector_store %arg3[%swap3A_74, %swap3A_75], %swap3A_78 {strides = array<i32>} : memref<150x512xi32, #tpu.memory_space<vmem>>, vector<1x16xi32>,
      %broadcast_in_dim3A_79 = arith.constant 0 : i32
      %broadcast_in_dim3A_80 = vector.broadcast %broadcast_in_dim3A_79 : i32 to vector<16xi32>
      %swap3A_81 = arith.index_cast %scan3A_9 : i32 to index
      %swap3A_82 = arith.constant 160 : index
      %swap3A_83 = tpu.vector_load %arg3[%swap3A_81, %swap3A_82] {strides = array<i32>} : memref<150x512xi32, #tpu.memory_space<vmem>>, vector<1x16xi32>,
      %swap3A_84 = vector.shape_cast %swap3A_83 : vector<1x16xi32> to vector<16xi32>
      %swap3A_85 = vector.shape_cast %broadcast_in_dim3A_80 : vector<16xi32> to vector<1x16xi32>
      tpu.vector_store %arg3[%swap3A_81, %swap3A_82], %swap3A_85 {strides = array<i32>} : memref<150x512xi32, #tpu.memory_space<vmem>>, vector<1x16xi32>,
      %broadcast_in_dim3A_86 = arith.constant 0 : i32
      %broadcast_in_dim3A_87 = vector.broadcast %broadcast_in_dim3A_86 : i32 to vector<16xi32>
      %swap3A_88 = arith.index_cast %scan3A_9 : i32 to index
      %swap3A_89 = arith.constant 176 : index
      %swap3A_90 = tpu.vector_load %arg3[%swap3A_88, %swap3A_89] {strides = array<i32>} : memref<150x512xi32, #tpu.memory_space<vmem>>, vector<1x16xi32>,
      %swap3A_91 = vector.shape_cast %swap3A_90 : vector<1x16xi32> to vector<16xi32>
      %swap3A_92 = vector.shape_cast %broadcast_in_dim3A_87 : vector<16xi32> to vector<1x16xi32>
      tpu.vector_store %arg3[%swap3A_88, %swap3A_89], %swap3A_92 {strides = array<i32>} : memref<150x512xi32, #tpu.memory_space<vmem>>, vector<1x16xi32>,
      %broadcast_in_dim3A_93 = arith.constant 0 : i32
      %broadcast_in_dim3A_94 = vector.broadcast %broadcast_in_dim3A_93 : i32 to vector<16xi32>
      %swap3A_95 = arith.index_cast %scan3A_9 : i32 to index
      %swap3A_96 = arith.constant 192 : index
      %swap3A_97 = tpu.vector_load %arg3[%swap3A_95, %swap3A_96] {strides = array<i32>} : memref<150x512xi32, #tpu.memory_space<vmem>>, vector<1x16xi32>,
      %swap3A_98 = vector.shape_cast %swap3A_97 : vector<1x16xi32> to vector<16xi32>
      %swap3A_99 = vector.shape_cast %broadcast_in_dim3A_94 : vector<16xi32> to vector<1x16xi32>
      tpu.vector_store %arg3[%swap3A_95, %swap3A_96], %swap3A_99 {strides = array<i32>} : memref<150x512xi32, #tpu.memory_space<vmem>>, vector<1x16xi32>,
      %broadcast_in_dim3A_100 = arith.constant 0 : i32
      %broadcast_in_dim3A_101 = vector.broadcast %broadcast_in_dim3A_100 : i32 to vector<16xi32>
      %swap3A_102 = arith.index_cast %scan3A_9 : i32 to index
      %swap3A_103 = arith.constant 208 : index
      %swap3A_104 = tpu.vector_load %arg3[%swap3A_102, %swap3A_103] {strides = array<i32>} : memref<150x512xi32, #tpu.memory_space<vmem>>, vector<1x16xi32>,
      %swap3A_105 = vector.shape_cast %swap3A_104 : vector<1x16xi32> to vector<16xi32>
      %swap3A_106 = vector.shape_cast %broadcast_in_dim3A_101 : vector<16xi32> to vector<1x16xi32>
      tpu.vector_store %arg3[%swap3A_102, %swap3A_103], %swap3A_106 {strides = array<i32>} : memref<150x512xi32, #tpu.memory_space<vmem>>, vector<1x16xi32>,
      %broadcast_in_dim3A_107 = arith.constant 0 : i32
      %broadcast_in_dim3A_108 = vector.broadcast %broadcast_in_dim3A_107 : i32 to vector<16xi32>
      %swap3A_109 = arith.index_cast %scan3A_9 : i32 to index
      %swap3A_110 = arith.constant 224 : index
      %swap3A_111 = tpu.vector_load %arg3[%swap3A_109, %swap3A_110] {strides = array<i32>} : memref<150x512xi32, #tpu.memory_space<vmem>>, vector<1x16xi32>,
      %swap3A_112 = vector.shape_cast %swap3A_111 : vector<1x16xi32> to vector<16xi32>
      %swap3A_113 = vector.shape_cast %broadcast_in_dim3A_108 : vector<16xi32> to vector<1x16xi32>
      tpu.vector_store %arg3[%swap3A_109, %swap3A_110], %swap3A_113 {strides = array<i32>} : memref<150x512xi32, #tpu.memory_space<vmem>>, vector<1x16xi32>,
      %broadcast_in_dim3A_114 = arith.constant 0 : i32
      %broadcast_in_dim3A_115 = vector.broadcast %broadcast_in_dim3A_114 : i32 to vector<16xi32>
      %swap3A_116 = arith.index_cast %scan3A_9 : i32 to index
      %swap3A_117 = arith.constant 240 : index
      %swap3A_118 = tpu.vector_load %arg3[%swap3A_116, %swap3A_117] {strides = array<i32>} : memref<150x512xi32, #tpu.memory_space<vmem>>, vector<1x16xi32>,
      %swap3A_119 = vector.shape_cast %swap3A_118 : vector<1x16xi32> to vector<16xi32>
      %swap3A_120 = vector.shape_cast %broadcast_in_dim3A_115 : vector<16xi32> to vector<1x16xi32>
      tpu.vector_store %arg3[%swap3A_116, %swap3A_117], %swap3A_120 {strides = array<i32>} : memref<150x512xi32, #tpu.memory_space<vmem>>, vector<1x16xi32>,
      %broadcast_in_dim3A_121 = arith.constant 0 : i32
      %broadcast_in_dim3A_122 = vector.broadcast %broadcast_in_dim3A_121 : i32 to vector<16xi32>
      %swap3A_123 = arith.index_cast %scan3A_9 : i32 to index
      %swap3A_124 = arith.constant 256 : index
      %swap3A_125 = tpu.vector_load %arg3[%swap3A_123, %swap3A_124] {strides = array<i32>} : memref<150x512xi32, #tpu.memory_space<vmem>>, vector<1x16xi32>,
      %swap3A_126 = vector.shape_cast %swap3A_125 : vector<1x16xi32> to vector<16xi32>
      %swap3A_127 = vector.shape_cast %broadcast_in_dim3A_122 : vector<16xi32> to vector<1x16xi32>
      tpu.vector_store %arg3[%swap3A_123, %swap3A_124], %swap3A_127 {strides = array<i32>} : memref<150x512xi32, #tpu.memory_space<vmem>>, vector<1x16xi32>,
      %broadcast_in_dim3A_128 = arith.constant 0 : i32
      %broadcast_in_dim3A_129 = vector.broadcast %broadcast_in_dim3A_128 : i32 to vector<16xi32>
      %swap3A_130 = arith.index_cast %scan3A_9 : i32 to index
      %swap3A_131 = arith.constant 272 : index
      %swap3A_132 = tpu.vector_load %arg3[%swap3A_130, %swap3A_131] {strides = array<i32>} : memref<150x512xi32, #tpu.memory_space<vmem>>, vector<1x16xi32>,
      %swap3A_133 = vector.shape_cast %swap3A_132 : vector<1x16xi32> to vector<16xi32>
      %swap3A_134 = vector.shape_cast %broadcast_in_dim3A_129 : vector<16xi32> to vector<1x16xi32>
      tpu.vector_store %arg3[%swap3A_130, %swap3A_131], %swap3A_134 {strides = array<i32>} : memref<150x512xi32, #tpu.memory_space<vmem>>, vector<1x16xi32>,
      %broadcast_in_dim3A_135 = arith.constant 0 : i32
      %broadcast_in_dim3A_136 = vector.broadcast %broadcast_in_dim3A_135 : i32 to vector<16xi32>
      %swap3A_137 = arith.index_cast %scan3A_9 : i32 to index
      %swap3A_138 = arith.constant 288 : index
      %swap3A_139 = tpu.vector_load %arg3[%swap3A_137, %swap3A_138] {strides = array<i32>} : memref<150x512xi32, #tpu.memory_space<vmem>>, vector<1x16xi32>,
      %swap3A_140 = vector.shape_cast %swap3A_139 : vector<1x16xi32> to vector<16xi32>
      %swap3A_141 = vector.shape_cast %broadcast_in_dim3A_136 : vector<16xi32> to vector<1x16xi32>
      tpu.vector_store %arg3[%swap3A_137, %swap3A_138], %swap3A_141 {strides = array<i32>} : memref<150x512xi32, #tpu.memory_space<vmem>>, vector<1x16xi32>,
      %broadcast_in_dim3A_142 = arith.constant 0 : i32
      %broadcast_in_dim3A_143 = vector.broadcast %broadcast_in_dim3A_142 : i32 to vector<16xi32>
      %swap3A_144 = arith.index_cast %scan3A_9 : i32 to index
      %swap3A_145 = arith.constant 304 : index
      %swap3A_146 = tpu.vector_load %arg3[%swap3A_144, %swap3A_145] {strides = array<i32>} : memref<150x512xi32, #tpu.memory_space<vmem>>, vector<1x16xi32>,
      %swap3A_147 = vector.shape_cast %swap3A_146 : vector<1x16xi32> to vector<16xi32>
      %swap3A_148 = vector.shape_cast %broadcast_in_dim3A_143 : vector<16xi32> to vector<1x16xi32>
      tpu.vector_store %arg3[%swap3A_144, %swap3A_145], %swap3A_148 {strides = array<i32>} : memref<150x512xi32, #tpu.memory_space<vmem>>, vector<1x16xi32>,
      %broadcast_in_dim3A_149 = arith.constant 0 : i32
      %broadcast_in_dim3A_150 = vector.broadcast %broadcast_in_dim3A_149 : i32 to vector<16xi32>
      %swap3A_151 = arith.index_cast %scan3A_9 : i32 to index
      %swap3A_152 = arith.constant 320 : index
      %swap3A_153 = tpu.vector_load %arg3[%swap3A_151, %swap3A_152] {strides = array<i32>} : memref<150x512xi32, #tpu.memory_space<vmem>>, vector<1x16xi32>,
      %swap3A_154 = vector.shape_cast %swap3A_153 : vector<1x16xi32> to vector<16xi32>
      %swap3A_155 = vector.shape_cast %broadcast_in_dim3A_150 : vector<16xi32> to vector<1x16xi32>
      tpu.vector_store %arg3[%swap3A_151, %swap3A_152], %swap3A_155 {strides = array<i32>} : memref<150x512xi32, #tpu.memory_space<vmem>>, vector<1x16xi32>,
      %broadcast_in_dim3A_156 = arith.constant 0 : i32
      %broadcast_in_dim3A_157 = vector.broadcast %broadcast_in_dim3A_156 : i32 to vector<16xi32>
      %swap3A_158 = arith.index_cast %scan3A_9 : i32 to index
      %swap3A_159 = arith.constant 336 : index
      %swap3A_160 = tpu.vector_load %arg3[%swap3A_158, %swap3A_159] {strides = array<i32>} : memref<150x512xi32, #tpu.memory_space<vmem>>, vector<1x16xi32>,
      %swap3A_161 = vector.shape_cast %swap3A_160 : vector<1x16xi32> to vector<16xi32>
      %swap3A_162 = vector.shape_cast %broadcast_in_dim3A_157 : vector<16xi32> to vector<1x16xi32>
      tpu.vector_store %arg3[%swap3A_158, %swap3A_159], %swap3A_162 {strides = array<i32>} : memref<150x512xi32, #tpu.memory_space<vmem>>, vector<1x16xi32>,
      %broadcast_in_dim3A_163 = arith.constant 0 : i32
      %broadcast_in_dim3A_164 = vector.broadcast %broadcast_in_dim3A_163 : i32 to vector<16xi32>
      %swap3A_165 = arith.index_cast %scan3A_9 : i32 to index
      %swap3A_166 = arith.constant 352 : index
      %swap3A_167 = tpu.vector_load %arg3[%swap3A_165, %swap3A_166] {strides = array<i32>} : memref<150x512xi32, #tpu.memory_space<vmem>>, vector<1x16xi32>,
      %swap3A_168 = vector.shape_cast %swap3A_167 : vector<1x16xi32> to vector<16xi32>
      %swap3A_169 = vector.shape_cast %broadcast_in_dim3A_164 : vector<16xi32> to vector<1x16xi32>
      tpu.vector_store %arg3[%swap3A_165, %swap3A_166], %swap3A_169 {strides = array<i32>} : memref<150x512xi32, #tpu.memory_space<vmem>>, vector<1x16xi32>,
      %broadcast_in_dim3A_170 = arith.constant 0 : i32
      %broadcast_in_dim3A_171 = vector.broadcast %broadcast_in_dim3A_170 : i32 to vector<16xi32>
      %swap3A_172 = arith.index_cast %scan3A_9 : i32 to index
      %swap3A_173 = arith.constant 368 : index
      %swap3A_174 = tpu.vector_load %arg3[%swap3A_172, %swap3A_173] {strides = array<i32>} : memref<150x512xi32, #tpu.memory_space<vmem>>, vector<1x16xi32>,
      %swap3A_175 = vector.shape_cast %swap3A_174 : vector<1x16xi32> to vector<16xi32>
      %swap3A_176 = vector.shape_cast %broadcast_in_dim3A_171 : vector<16xi32> to vector<1x16xi32>
      tpu.vector_store %arg3[%swap3A_172, %swap3A_173], %swap3A_176 {strides = array<i32>} : memref<150x512xi32, #tpu.memory_space<vmem>>, vector<1x16xi32>,
      %broadcast_in_dim3A_177 = arith.constant 0 : i32
      %broadcast_in_dim3A_178 = vector.broadcast %broadcast_in_dim3A_177 : i32 to vector<16xi32>
      %swap3A_179 = arith.index_cast %scan3A_9 : i32 to index
      %swap3A_180 = arith.constant 384 : index
      %swap3A_181 = tpu.vector_load %arg3[%swap3A_179, %swap3A_180] {strides = array<i32>} : memref<150x512xi32, #tpu.memory_space<vmem>>, vector<1x16xi32>,
      %swap3A_182 = vector.shape_cast %swap3A_181 : vector<1x16xi32> to vector<16xi32>
      %swap3A_183 = vector.shape_cast %broadcast_in_dim3A_178 : vector<16xi32> to vector<1x16xi32>
      tpu.vector_store %arg3[%swap3A_179, %swap3A_180], %swap3A_183 {strides = array<i32>} : memref<150x512xi32, #tpu.memory_space<vmem>>, vector<1x16xi32>,
      %broadcast_in_dim3A_184 = arith.constant 0 : i32
      %broadcast_in_dim3A_185 = vector.broadcast %broadcast_in_dim3A_184 : i32 to vector<16xi32>
      %swap3A_186 = arith.index_cast %scan3A_9 : i32 to index
      %swap3A_187 = arith.constant 400 : index
      %swap3A_188 = tpu.vector_load %arg3[%swap3A_186, %swap3A_187] {strides = array<i32>} : memref<150x512xi32, #tpu.memory_space<vmem>>, vector<1x16xi32>,
      %swap3A_189 = vector.shape_cast %swap3A_188 : vector<1x16xi32> to vector<16xi32>
      %swap3A_190 = vector.shape_cast %broadcast_in_dim3A_185 : vector<16xi32> to vector<1x16xi32>
      tpu.vector_store %arg3[%swap3A_186, %swap3A_187], %swap3A_190 {strides = array<i32>} : memref<150x512xi32, #tpu.memory_space<vmem>>, vector<1x16xi32>,
      %broadcast_in_dim3A_191 = arith.constant 0 : i32
      %broadcast_in_dim3A_192 = vector.broadcast %broadcast_in_dim3A_191 : i32 to vector<16xi32>
      %swap3A_193 = arith.index_cast %scan3A_9 : i32 to index
      %swap3A_194 = arith.constant 416 : index
      %swap3A_195 = tpu.vector_load %arg3[%swap3A_193, %swap3A_194] {strides = array<i32>} : memref<150x512xi32, #tpu.memory_space<vmem>>, vector<1x16xi32>,
      %swap3A_196 = vector.shape_cast %swap3A_195 : vector<1x16xi32> to vector<16xi32>
      %swap3A_197 = vector.shape_cast %broadcast_in_dim3A_192 : vector<16xi32> to vector<1x16xi32>
      tpu.vector_store %arg3[%swap3A_193, %swap3A_194], %swap3A_197 {strides = array<i32>} : memref<150x512xi32, #tpu.memory_space<vmem>>, vector<1x16xi32>,
      %broadcast_in_dim3A_198 = arith.constant 0 : i32
      %broadcast_in_dim3A_199 = vector.broadcast %broadcast_in_dim3A_198 : i32 to vector<16xi32>
      %swap3A_200 = arith.index_cast %scan3A_9 : i32 to index
      %swap3A_201 = arith.constant 432 : index
      %swap3A_202 = tpu.vector_load %arg3[%swap3A_200, %swap3A_201] {strides = array<i32>} : memref<150x512xi32, #tpu.memory_space<vmem>>, vector<1x16xi32>,
      %swap3A_203 = vector.shape_cast %swap3A_202 : vector<1x16xi32> to vector<16xi32>
      %swap3A_204 = vector.shape_cast %broadcast_in_dim3A_199 : vector<16xi32> to vector<1x16xi32>
      tpu.vector_store %arg3[%swap3A_200, %swap3A_201], %swap3A_204 {strides = array<i32>} : memref<150x512xi32, #tpu.memory_space<vmem>>, vector<1x16xi32>,
      %broadcast_in_dim3A_205 = arith.constant 0 : i32
      %broadcast_in_dim3A_206 = vector.broadcast %broadcast_in_dim3A_205 : i32 to vector<16xi32>
      %swap3A_207 = arith.index_cast %scan3A_9 : i32 to index
      %swap3A_208 = arith.constant 448 : index
      %swap3A_209 = tpu.vector_load %arg3[%swap3A_207, %swap3A_208] {strides = array<i32>} : memref<150x512xi32, #tpu.memory_space<vmem>>, vector<1x16xi32>,
      %swap3A_210 = vector.shape_cast %swap3A_209 : vector<1x16xi32> to vector<16xi32>
      %swap3A_211 = vector.shape_cast %broadcast_in_dim3A_206 : vector<16xi32> to vector<1x16xi32>
      tpu.vector_store %arg3[%swap3A_207, %swap3A_208], %swap3A_211 {strides = array<i32>} : memref<150x512xi32, #tpu.memory_space<vmem>>, vector<1x16xi32>,
      %broadcast_in_dim3A_212 = arith.constant 0 : i32
      %broadcast_in_dim3A_213 = vector.broadcast %broadcast_in_dim3A_212 : i32 to vector<16xi32>
      %swap3A_214 = arith.index_cast %scan3A_9 : i32 to index
      %swap3A_215 = arith.constant 464 : index
      %swap3A_216 = tpu.vector_load %arg3[%swap3A_214, %swap3A_215] {strides = array<i32>} : memref<150x512xi32, #tpu.memory_space<vmem>>, vector<1x16xi32>,
      %swap3A_217 = vector.shape_cast %swap3A_216 : vector<1x16xi32> to vector<16xi32>
      %swap3A_218 = vector.shape_cast %broadcast_in_dim3A_213 : vector<16xi32> to vector<1x16xi32>
      tpu.vector_store %arg3[%swap3A_214, %swap3A_215], %swap3A_218 {strides = array<i32>} : memref<150x512xi32, #tpu.memory_space<vmem>>, vector<1x16xi32>,
      %broadcast_in_dim3A_219 = arith.constant 0 : i32
      %broadcast_in_dim3A_220 = vector.broadcast %broadcast_in_dim3A_219 : i32 to vector<16xi32>
      %swap3A_221 = arith.index_cast %scan3A_9 : i32 to index
      %swap3A_222 = arith.constant 480 : index
      %swap3A_223 = tpu.vector_load %arg3[%swap3A_221, %swap3A_222] {strides = array<i32>} : memref<150x512xi32, #tpu.memory_space<vmem>>, vector<1x16xi32>,
      %swap3A_224 = vector.shape_cast %swap3A_223 : vector<1x16xi32> to vector<16xi32>
      %swap3A_225 = vector.shape_cast %broadcast_in_dim3A_220 : vector<16xi32> to vector<1x16xi32>
      tpu.vector_store %arg3[%swap3A_221, %swap3A_222], %swap3A_225 {strides = array<i32>} : memref<150x512xi32, #tpu.memory_space<vmem>>, vector<1x16xi32>,
      %broadcast_in_dim3A_226 = arith.constant 0 : i32
      %broadcast_in_dim3A_227 = vector.broadcast %broadcast_in_dim3A_226 : i32 to vector<16xi32>
      %swap3A_228 = arith.index_cast %scan3A_9 : i32 to index
      %swap3A_229 = arith.constant 496 : index
      %swap3A_230 = tpu.vector_load %arg3[%swap3A_228, %swap3A_229] {strides = array<i32>} : memref<150x512xi32, #tpu.memory_space<vmem>>, vector<1x16xi32>,
      %swap3A_231 = vector.shape_cast %swap3A_230 : vector<1x16xi32> to vector<16xi32>
      %swap3A_232 = vector.shape_cast %broadcast_in_dim3A_227 : vector<16xi32> to vector<1x16xi32>
      tpu.vector_store %arg3[%swap3A_228, %swap3A_229], %swap3A_232 {strides = array<i32>} : memref<150x512xi32, #tpu.memory_space<vmem>>, vector<1x16xi32>,
      %scan3A_233 = arith.constant 0 : i32
      %scan3A_234 = arith.constant 1 : i32
      %scan3A_235 = arith.addi %scan3A_9, %scan3A_234 : i32
      %broadcast_in_dim3A_236 = arith.constant 0 : i32
      %broadcast_in_dim3A_237 = vector.broadcast %broadcast_in_dim3A_236 : i32 to vector<16xi32>
      %swap3A_238 = arith.index_cast %scan3A_235 : i32 to index
      %swap3A_239 = arith.constant 0 : index
      %swap3A_240 = tpu.vector_load %arg3[%swap3A_238, %swap3A_239] {strides = array<i32>} : memref<150x512xi32, #tpu.memory_space<vmem>>, vector<1x16xi32>,
      %swap3A_241 = vector.shape_cast %swap3A_240 : vector<1x16xi32> to vector<16xi32>
      %swap3A_242 = vector.shape_cast %broadcast_in_dim3A_237 : vector<16xi32> to vector<1x16xi32>
      tpu.vector_store %arg3[%swap3A_238, %swap3A_239], %swap3A_242 {strides = array<i32>} : memref<150x512xi32, #tpu.memory_space<vmem>>, vector<1x16xi32>,
      %broadcast_in_dim3A_243 = arith.constant 0 : i32
      %broadcast_in_dim3A_244 = vector.broadcast %broadcast_in_dim3A_243 : i32 to vector<16xi32>
      %swap3A_245 = arith.index_cast %scan3A_235 : i32 to index
      %swap3A_246 = arith.constant 16 : index
      %swap3A_247 = tpu.vector_load %arg3[%swap3A_245, %swap3A_246] {strides = array<i32>} : memref<150x512xi32, #tpu.memory_space<vmem>>, vector<1x16xi32>,
      %swap3A_248 = vector.shape_cast %swap3A_247 : vector<1x16xi32> to vector<16xi32>
      %swap3A_249 = vector.shape_cast %broadcast_in_dim3A_244 : vector<16xi32> to vector<1x16xi32>
      tpu.vector_store %arg3[%swap3A_245, %swap3A_246], %swap3A_249 {strides = array<i32>} : memref<150x512xi32, #tpu.memory_space<vmem>>, vector<1x16xi32>,
      %broadcast_in_dim3A_250 = arith.constant 0 : i32
      %broadcast_in_dim3A_251 = vector.broadcast %broadcast_in_dim3A_250 : i32 to vector<16xi32>
      %swap3A_252 = arith.index_cast %scan3A_235 : i32 to index
      %swap3A_253 = arith.constant 32 : index
      %swap3A_254 = tpu.vector_load %arg3[%swap3A_252, %swap3A_253] {strides = array<i32>} : memref<150x512xi32, #tpu.memory_space<vmem>>, vector<1x16xi32>,
      %swap3A_255 = vector.shape_cast %swap3A_254 : vector<1x16xi32> to vector<16xi32>
      %swap3A_256 = vector.shape_cast %broadcast_in_dim3A_251 : vector<16xi32> to vector<1x16xi32>
      tpu.vector_store %arg3[%swap3A_252, %swap3A_253], %swap3A_256 {strides = array<i32>} : memref<150x512xi32, #tpu.memory_space<vmem>>, vector<1x16xi32>,
      %broadcast_in_dim3A_257 = arith.constant 0 : i32
      %broadcast_in_dim3A_258 = vector.broadcast %broadcast_in_dim3A_257 : i32 to vector<16xi32>
      %swap3A_259 = arith.index_cast %scan3A_235 : i32 to index
      %swap3A_260 = arith.constant 48 : index
      %swap3A_261 = tpu.vector_load %arg3[%swap3A_259, %swap3A_260] {strides = array<i32>} : memref<150x512xi32, #tpu.memory_space<vmem>>, vector<1x16xi32>,
      %swap3A_262 = vector.shape_cast %swap3A_261 : vector<1x16xi32> to vector<16xi32>
      %swap3A_263 = vector.shape_cast %broadcast_in_dim3A_258 : vector<16xi32> to vector<1x16xi32>
      tpu.vector_store %arg3[%swap3A_259, %swap3A_260], %swap3A_263 {strides = array<i32>} : memref<150x512xi32, #tpu.memory_space<vmem>>, vector<1x16xi32>,
      %broadcast_in_dim3A_264 = arith.constant 0 : i32
      %broadcast_in_dim3A_265 = vector.broadcast %broadcast_in_dim3A_264 : i32 to vector<16xi32>
      %swap3A_266 = arith.index_cast %scan3A_235 : i32 to index
      %swap3A_267 = arith.constant 64 : index
      %swap3A_268 = tpu.vector_load %arg3[%swap3A_266, %swap3A_267] {strides = array<i32>} : memref<150x512xi32, #tpu.memory_space<vmem>>, vector<1x16xi32>,
      %swap3A_269 = vector.shape_cast %swap3A_268 : vector<1x16xi32> to vector<16xi32>
      %swap3A_270 = vector.shape_cast %broadcast_in_dim3A_265 : vector<16xi32> to vector<1x16xi32>
      tpu.vector_store %arg3[%swap3A_266, %swap3A_267], %swap3A_270 {strides = array<i32>} : memref<150x512xi32, #tpu.memory_space<vmem>>, vector<1x16xi32>,
      %broadcast_in_dim3A_271 = arith.constant 0 : i32
      %broadcast_in_dim3A_272 = vector.broadcast %broadcast_in_dim3A_271 : i32 to vector<16xi32>
      %swap3A_273 = arith.index_cast %scan3A_235 : i32 to index
      %swap3A_274 = arith.constant 80 : index
      %swap3A_275 = tpu.vector_load %arg3[%swap3A_273, %swap3A_274] {strides = array<i32>} : memref<150x512xi32, #tpu.memory_space<vmem>>, vector<1x16xi32>,
      %swap3A_276 = vector.shape_cast %swap3A_275 : vector<1x16xi32> to vector<16xi32>
      %swap3A_277 = vector.shape_cast %broadcast_in_dim3A_272 : vector<16xi32> to vector<1x16xi32>
      tpu.vector_store %arg3[%swap3A_273, %swap3A_274], %swap3A_277 {strides = array<i32>} : memref<150x512xi32, #tpu.memory_space<vmem>>, vector<1x16xi32>,
      %broadcast_in_dim3A_278 = arith.constant 0 : i32
      %broadcast_in_dim3A_279 = vector.broadcast %broadcast_in_dim3A_278 : i32 to vector<16xi32>
      %swap3A_280 = arith.index_cast %scan3A_235 : i32 to index
      %swap3A_281 = arith.constant 96 : index
      %swap3A_282 = tpu.vector_load %arg3[%swap3A_280, %swap3A_281] {strides = array<i32>} : memref<150x512xi32, #tpu.memory_space<vmem>>, vector<1x16xi32>,
      %swap3A_283 = vector.shape_cast %swap3A_282 : vector<1x16xi32> to vector<16xi32>
      %swap3A_284 = vector.shape_cast %broadcast_in_dim3A_279 : vector<16xi32> to vector<1x16xi32>
      tpu.vector_store %arg3[%swap3A_280, %swap3A_281], %swap3A_284 {strides = array<i32>} : memref<150x512xi32, #tpu.memory_space<vmem>>, vector<1x16xi32>,
      %broadcast_in_dim3A_285 = arith.constant 0 : i32
      %broadcast_in_dim3A_286 = vector.broadcast %broadcast_in_dim3A_285 : i32 to vector<16xi32>
      %swap3A_287 = arith.index_cast %scan3A_235 : i32 to index
      %swap3A_288 = arith.constant 112 : index
      %swap3A_289 = tpu.vector_load %arg3[%swap3A_287, %swap3A_288] {strides = array<i32>} : memref<150x512xi32, #tpu.memory_space<vmem>>, vector<1x16xi32>,
      %swap3A_290 = vector.shape_cast %swap3A_289 : vector<1x16xi32> to vector<16xi32>
      %swap3A_291 = vector.shape_cast %broadcast_in_dim3A_286 : vector<16xi32> to vector<1x16xi32>
      tpu.vector_store %arg3[%swap3A_287, %swap3A_288], %swap3A_291 {strides = array<i32>} : memref<150x512xi32, #tpu.memory_space<vmem>>, vector<1x16xi32>,
      %broadcast_in_dim3A_292 = arith.constant 0 : i32
      %broadcast_in_dim3A_293 = vector.broadcast %broadcast_in_dim3A_292 : i32 to vector<16xi32>
      %swap3A_294 = arith.index_cast %scan3A_235 : i32 to index
      %swap3A_295 = arith.constant 128 : index
      %swap3A_296 = tpu.vector_load %arg3[%swap3A_294, %swap3A_295] {strides = array<i32>} : memref<150x512xi32, #tpu.memory_space<vmem>>, vector<1x16xi32>,
      %swap3A_297 = vector.shape_cast %swap3A_296 : vector<1x16xi32> to vector<16xi32>
      %swap3A_298 = vector.shape_cast %broadcast_in_dim3A_293 : vector<16xi32> to vector<1x16xi32>
      tpu.vector_store %arg3[%swap3A_294, %swap3A_295], %swap3A_298 {strides = array<i32>} : memref<150x512xi32, #tpu.memory_space<vmem>>, vector<1x16xi32>,
      %broadcast_in_dim3A_299 = arith.constant 0 : i32
      %broadcast_in_dim3A_300 = vector.broadcast %broadcast_in_dim3A_299 : i32 to vector<16xi32>
      %swap3A_301 = arith.index_cast %scan3A_235 : i32 to index
      %swap3A_302 = arith.constant 144 : index
      %swap3A_303 = tpu.vector_load %arg3[%swap3A_301, %swap3A_302] {strides = array<i32>} : memref<150x512xi32, #tpu.memory_space<vmem>>, vector<1x16xi32>,
      %swap3A_304 = vector.shape_cast %swap3A_303 : vector<1x16xi32> to vector<16xi32>
      %swap3A_305 = vector.shape_cast %broadcast_in_dim3A_300 : vector<16xi32> to vector<1x16xi32>
      tpu.vector_store %arg3[%swap3A_301, %swap3A_302], %swap3A_305 {strides = array<i32>} : memref<150x512xi32, #tpu.memory_space<vmem>>, vector<1x16xi32>,
      %broadcast_in_dim3A_306 = arith.constant 0 : i32
      %broadcast_in_dim3A_307 = vector.broadcast %broadcast_in_dim3A_306 : i32 to vector<16xi32>
      %swap3A_308 = arith.index_cast %scan3A_235 : i32 to index
      %swap3A_309 = arith.constant 160 : index
      %swap3A_310 = tpu.vector_load %arg3[%swap3A_308, %swap3A_309] {strides = array<i32>} : memref<150x512xi32, #tpu.memory_space<vmem>>, vector<1x16xi32>,
      %swap3A_311 = vector.shape_cast %swap3A_310 : vector<1x16xi32> to vector<16xi32>
      %swap3A_312 = vector.shape_cast %broadcast_in_dim3A_307 : vector<16xi32> to vector<1x16xi32>
      tpu.vector_store %arg3[%swap3A_308, %swap3A_309], %swap3A_312 {strides = array<i32>} : memref<150x512xi32, #tpu.memory_space<vmem>>, vector<1x16xi32>,
      %broadcast_in_dim3A_313 = arith.constant 0 : i32
      %broadcast_in_dim3A_314 = vector.broadcast %broadcast_in_dim3A_313 : i32 to vector<16xi32>
      %swap3A_315 = arith.index_cast %scan3A_235 : i32 to index
      %swap3A_316 = arith.constant 176 : index
      %swap3A_317 = tpu.vector_load %arg3[%swap3A_315, %swap3A_316] {strides = array<i32>} : memref<150x512xi32, #tpu.memory_space<vmem>>, vector<1x16xi32>,
      %swap3A_318 = vector.shape_cast %swap3A_317 : vector<1x16xi32> to vector<16xi32>
      %swap3A_319 = vector.shape_cast %broadcast_in_dim3A_314 : vector<16xi32> to vector<1x16xi32>
      tpu.vector_store %arg3[%swap3A_315, %swap3A_316], %swap3A_319 {strides = array<i32>} : memref<150x512xi32, #tpu.memory_space<vmem>>, vector<1x16xi32>,
      %broadcast_in_dim3A_320 = arith.constant 0 : i32
      %broadcast_in_dim3A_321 = vector.broadcast %broadcast_in_dim3A_320 : i32 to vector<16xi32>
      %swap3A_322 = arith.index_cast %scan3A_235 : i32 to index
      %swap3A_323 = arith.constant 192 : index
      %swap3A_324 = tpu.vector_load %arg3[%swap3A_322, %swap3A_323] {strides = array<i32>} : memref<150x512xi32, #tpu.memory_space<vmem>>, vector<1x16xi32>,
      %swap3A_325 = vector.shape_cast %swap3A_324 : vector<1x16xi32> to vector<16xi32>
      %swap3A_326 = vector.shape_cast %broadcast_in_dim3A_321 : vector<16xi32> to vector<1x16xi32>
      tpu.vector_store %arg3[%swap3A_322, %swap3A_323], %swap3A_326 {strides = array<i32>} : memref<150x512xi32, #tpu.memory_space<vmem>>, vector<1x16xi32>,
      %broadcast_in_dim3A_327 = arith.constant 0 : i32
      %broadcast_in_dim3A_328 = vector.broadcast %broadcast_in_dim3A_327 : i32 to vector<16xi32>
      %swap3A_329 = arith.index_cast %scan3A_235 : i32 to index
      %swap3A_330 = arith.constant 208 : index
      %swap3A_331 = tpu.vector_load %arg3[%swap3A_329, %swap3A_330] {strides = array<i32>} : memref<150x512xi32, #tpu.memory_space<vmem>>, vector<1x16xi32>,
      %swap3A_332 = vector.shape_cast %swap3A_331 : vector<1x16xi32> to vector<16xi32>
      %swap3A_333 = vector.shape_cast %broadcast_in_dim3A_328 : vector<16xi32> to vector<1x16xi32>
      tpu.vector_store %arg3[%swap3A_329, %swap3A_330], %swap3A_333 {strides = array<i32>} : memref<150x512xi32, #tpu.memory_space<vmem>>, vector<1x16xi32>,
      %broadcast_in_dim3A_334 = arith.constant 0 : i32
      %broadcast_in_dim3A_335 = vector.broadcast %broadcast_in_dim3A_334 : i32 to vector<16xi32>
      %swap3A_336 = arith.index_cast %scan3A_235 : i32 to index
      %swap3A_337 = arith.constant 224 : index
      %swap3A_338 = tpu.vector_load %arg3[%swap3A_336, %swap3A_337] {strides = array<i32>} : memref<150x512xi32, #tpu.memory_space<vmem>>, vector<1x16xi32>,
      %swap3A_339 = vector.shape_cast %swap3A_338 : vector<1x16xi32> to vector<16xi32>
      %swap3A_340 = vector.shape_cast %broadcast_in_dim3A_335 : vector<16xi32> to vector<1x16xi32>
      tpu.vector_store %arg3[%swap3A_336, %swap3A_337], %swap3A_340 {strides = array<i32>} : memref<150x512xi32, #tpu.memory_space<vmem>>, vector<1x16xi32>,
      %broadcast_in_dim3A_341 = arith.constant 0 : i32
      %broadcast_in_dim3A_342 = vector.broadcast %broadcast_in_dim3A_341 : i32 to vector<16xi32>
      %swap3A_343 = arith.index_cast %scan3A_235 : i32 to index
      %swap3A_344 = arith.constant 240 : index
      %swap3A_345 = tpu.vector_load %arg3[%swap3A_343, %swap3A_344] {strides = array<i32>} : memref<150x512xi32, #tpu.memory_space<vmem>>, vector<1x16xi32>,
      %swap3A_346 = vector.shape_cast %swap3A_345 : vector<1x16xi32> to vector<16xi32>
      %swap3A_347 = vector.shape_cast %broadcast_in_dim3A_342 : vector<16xi32> to vector<1x16xi32>
      tpu.vector_store %arg3[%swap3A_343, %swap3A_344], %swap3A_347 {strides = array<i32>} : memref<150x512xi32, #tpu.memory_space<vmem>>, vector<1x16xi32>,
      %broadcast_in_dim3A_348 = arith.constant 0 : i32
      %broadcast_in_dim3A_349 = vector.broadcast %broadcast_in_dim3A_348 : i32 to vector<16xi32>
      %swap3A_350 = arith.index_cast %scan3A_235 : i32 to index
      %swap3A_351 = arith.constant 256 : index
      %swap3A_352 = tpu.vector_load %arg3[%swap3A_350, %swap3A_351] {strides = array<i32>} : memref<150x512xi32, #tpu.memory_space<vmem>>, vector<1x16xi32>,
      %swap3A_353 = vector.shape_cast %swap3A_352 : vector<1x16xi32> to vector<16xi32>
      %swap3A_354 = vector.shape_cast %broadcast_in_dim3A_349 : vector<16xi32> to vector<1x16xi32>
      tpu.vector_store %arg3[%swap3A_350, %swap3A_351], %swap3A_354 {strides = array<i32>} : memref<150x512xi32, #tpu.memory_space<vmem>>, vector<1x16xi32>,
      %broadcast_in_dim3A_355 = arith.constant 0 : i32
      %broadcast_in_dim3A_356 = vector.broadcast %broadcast_in_dim3A_355 : i32 to vector<16xi32>
      %swap3A_357 = arith.index_cast %scan3A_235 : i32 to index
      %swap3A_358 = arith.constant 272 : index
      %swap3A_359 = tpu.vector_load %arg3[%swap3A_357, %swap3A_358] {strides = array<i32>} : memref<150x512xi32, #tpu.memory_space<vmem>>, vector<1x16xi32>,
      %swap3A_360 = vector.shape_cast %swap3A_359 : vector<1x16xi32> to vector<16xi32>
      %swap3A_361 = vector.shape_cast %broadcast_in_dim3A_356 : vector<16xi32> to vector<1x16xi32>
      tpu.vector_store %arg3[%swap3A_357, %swap3A_358], %swap3A_361 {strides = array<i32>} : memref<150x512xi32, #tpu.memory_space<vmem>>, vector<1x16xi32>,
      %broadcast_in_dim3A_362 = arith.constant 0 : i32
      %broadcast_in_dim3A_363 = vector.broadcast %broadcast_in_dim3A_362 : i32 to vector<16xi32>
      %swap3A_364 = arith.index_cast %scan3A_235 : i32 to index
      %swap3A_365 = arith.constant 288 : index
      %swap3A_366 = tpu.vector_load %arg3[%swap3A_364, %swap3A_365] {strides = array<i32>} : memref<150x512xi32, #tpu.memory_space<vmem>>, vector<1x16xi32>,
      %swap3A_367 = vector.shape_cast %swap3A_366 : vector<1x16xi32> to vector<16xi32>
      %swap3A_368 = vector.shape_cast %broadcast_in_dim3A_363 : vector<16xi32> to vector<1x16xi32>
      tpu.vector_store %arg3[%swap3A_364, %swap3A_365], %swap3A_368 {strides = array<i32>} : memref<150x512xi32, #tpu.memory_space<vmem>>, vector<1x16xi32>,
      %broadcast_in_dim3A_369 = arith.constant 0 : i32
      %broadcast_in_dim3A_370 = vector.broadcast %broadcast_in_dim3A_369 : i32 to vector<16xi32>
      %swap3A_371 = arith.index_cast %scan3A_235 : i32 to index
      %swap3A_372 = arith.constant 304 : index
      %swap3A_373 = tpu.vector_load %arg3[%swap3A_371, %swap3A_372] {strides = array<i32>} : memref<150x512xi32, #tpu.memory_space<vmem>>, vector<1x16xi32>,
      %swap3A_374 = vector.shape_cast %swap3A_373 : vector<1x16xi32> to vector<16xi32>
      %swap3A_375 = vector.shape_cast %broadcast_in_dim3A_370 : vector<16xi32> to vector<1x16xi32>
      tpu.vector_store %arg3[%swap3A_371, %swap3A_372], %swap3A_375 {strides = array<i32>} : memref<150x512xi32, #tpu.memory_space<vmem>>, vector<1x16xi32>,
      %broadcast_in_dim3A_376 = arith.constant 0 : i32
      %broadcast_in_dim3A_377 = vector.broadcast %broadcast_in_dim3A_376 : i32 to vector<16xi32>
      %swap3A_378 = arith.index_cast %scan3A_235 : i32 to index
      %swap3A_379 = arith.constant 320 : index
      %swap3A_380 = tpu.vector_load %arg3[%swap3A_378, %swap3A_379] {strides = array<i32>} : memref<150x512xi32, #tpu.memory_space<vmem>>, vector<1x16xi32>,
      %swap3A_381 = vector.shape_cast %swap3A_380 : vector<1x16xi32> to vector<16xi32>
      %swap3A_382 = vector.shape_cast %broadcast_in_dim3A_377 : vector<16xi32> to vector<1x16xi32>
      tpu.vector_store %arg3[%swap3A_378, %swap3A_379], %swap3A_382 {strides = array<i32>} : memref<150x512xi32, #tpu.memory_space<vmem>>, vector<1x16xi32>,
      %broadcast_in_dim3A_383 = arith.constant 0 : i32
      %broadcast_in_dim3A_384 = vector.broadcast %broadcast_in_dim3A_383 : i32 to vector<16xi32>
      %swap3A_385 = arith.index_cast %scan3A_235 : i32 to index
      %swap3A_386 = arith.constant 336 : index
      %swap3A_387 = tpu.vector_load %arg3[%swap3A_385, %swap3A_386] {strides = array<i32>} : memref<150x512xi32, #tpu.memory_space<vmem>>, vector<1x16xi32>,
      %swap3A_388 = vector.shape_cast %swap3A_387 : vector<1x16xi32> to vector<16xi32>
      %swap3A_389 = vector.shape_cast %broadcast_in_dim3A_384 : vector<16xi32> to vector<1x16xi32>
      tpu.vector_store %arg3[%swap3A_385, %swap3A_386], %swap3A_389 {strides = array<i32>} : memref<150x512xi32, #tpu.memory_space<vmem>>, vector<1x16xi32>,
      %broadcast_in_dim3A_390 = arith.constant 0 : i32
      %broadcast_in_dim3A_391 = vector.broadcast %broadcast_in_dim3A_390 : i32 to vector<16xi32>
      %swap3A_392 = arith.index_cast %scan3A_235 : i32 to index
      %swap3A_393 = arith.constant 352 : index
      %swap3A_394 = tpu.vector_load %arg3[%swap3A_392, %swap3A_393] {strides = array<i32>} : memref<150x512xi32, #tpu.memory_space<vmem>>, vector<1x16xi32>,
      %swap3A_395 = vector.shape_cast %swap3A_394 : vector<1x16xi32> to vector<16xi32>
      %swap3A_396 = vector.shape_cast %broadcast_in_dim3A_391 : vector<16xi32> to vector<1x16xi32>
      tpu.vector_store %arg3[%swap3A_392, %swap3A_393], %swap3A_396 {strides = array<i32>} : memref<150x512xi32, #tpu.memory_space<vmem>>, vector<1x16xi32>,
      %broadcast_in_dim3A_397 = arith.constant 0 : i32
      %broadcast_in_dim3A_398 = vector.broadcast %broadcast_in_dim3A_397 : i32 to vector<16xi32>
      %swap3A_399 = arith.index_cast %scan3A_235 : i32 to index
      %swap3A_400 = arith.constant 368 : index
      %swap3A_401 = tpu.vector_load %arg3[%swap3A_399, %swap3A_400] {strides = array<i32>} : memref<150x512xi32, #tpu.memory_space<vmem>>, vector<1x16xi32>,
      %swap3A_402 = vector.shape_cast %swap3A_401 : vector<1x16xi32> to vector<16xi32>
      %swap3A_403 = vector.shape_cast %broadcast_in_dim3A_398 : vector<16xi32> to vector<1x16xi32>
      tpu.vector_store %arg3[%swap3A_399, %swap3A_400], %swap3A_403 {strides = array<i32>} : memref<150x512xi32, #tpu.memory_space<vmem>>, vector<1x16xi32>,
      %broadcast_in_dim3A_404 = arith.constant 0 : i32
      %broadcast_in_dim3A_405 = vector.broadcast %broadcast_in_dim3A_404 : i32 to vector<16xi32>
      %swap3A_406 = arith.index_cast %scan3A_235 : i32 to index
      %swap3A_407 = arith.constant 384 : index
      %swap3A_408 = tpu.vector_load %arg3[%swap3A_406, %swap3A_407] {strides = array<i32>} : memref<150x512xi32, #tpu.memory_space<vmem>>, vector<1x16xi32>,
      %swap3A_409 = vector.shape_cast %swap3A_408 : vector<1x16xi32> to vector<16xi32>
      %swap3A_410 = vector.shape_cast %broadcast_in_dim3A_405 : vector<16xi32> to vector<1x16xi32>
      tpu.vector_store %arg3[%swap3A_406, %swap3A_407], %swap3A_410 {strides = array<i32>} : memref<150x512xi32, #tpu.memory_space<vmem>>, vector<1x16xi32>,
      %broadcast_in_dim3A_411 = arith.constant 0 : i32
      %broadcast_in_dim3A_412 = vector.broadcast %broadcast_in_dim3A_411 : i32 to vector<16xi32>
      %swap3A_413 = arith.index_cast %scan3A_235 : i32 to index
      %swap3A_414 = arith.constant 400 : index
      %swap3A_415 = tpu.vector_load %arg3[%swap3A_413, %swap3A_414] {strides = array<i32>} : memref<150x512xi32, #tpu.memory_space<vmem>>, vector<1x16xi32>,
      %swap3A_416 = vector.shape_cast %swap3A_415 : vector<1x16xi32> to vector<16xi32>
      %swap3A_417 = vector.shape_cast %broadcast_in_dim3A_412 : vector<16xi32> to vector<1x16xi32>
      tpu.vector_store %arg3[%swap3A_413, %swap3A_414], %swap3A_417 {strides = array<i32>} : memref<150x512xi32, #tpu.memory_space<vmem>>, vector<1x16xi32>,
      %broadcast_in_dim3A_418 = arith.constant 0 : i32
      %broadcast_in_dim3A_419 = vector.broadcast %broadcast_in_dim3A_418 : i32 to vector<16xi32>
      %swap3A_420 = arith.index_cast %scan3A_235 : i32 to index
      %swap3A_421 = arith.constant 416 : index
      %swap3A_422 = tpu.vector_load %arg3[%swap3A_420, %swap3A_421] {strides = array<i32>} : memref<150x512xi32, #tpu.memory_space<vmem>>, vector<1x16xi32>,
      %swap3A_423 = vector.shape_cast %swap3A_422 : vector<1x16xi32> to vector<16xi32>
      %swap3A_424 = vector.shape_cast %broadcast_in_dim3A_419 : vector<16xi32> to vector<1x16xi32>
      tpu.vector_store %arg3[%swap3A_420, %swap3A_421], %swap3A_424 {strides = array<i32>} : memref<150x512xi32, #tpu.memory_space<vmem>>, vector<1x16xi32>,
      %broadcast_in_dim3A_425 = arith.constant 0 : i32
      %broadcast_in_dim3A_426 = vector.broadcast %broadcast_in_dim3A_425 : i32 to vector<16xi32>
      %swap3A_427 = arith.index_cast %scan3A_235 : i32 to index
      %swap3A_428 = arith.constant 432 : index
      %swap3A_429 = tpu.vector_load %arg3[%swap3A_427, %swap3A_428] {strides = array<i32>} : memref<150x512xi32, #tpu.memory_space<vmem>>, vector<1x16xi32>,
      %swap3A_430 = vector.shape_cast %swap3A_429 : vector<1x16xi32> to vector<16xi32>
      %swap3A_431 = vector.shape_cast %broadcast_in_dim3A_426 : vector<16xi32> to vector<1x16xi32>
      tpu.vector_store %arg3[%swap3A_427, %swap3A_428], %swap3A_431 {strides = array<i32>} : memref<150x512xi32, #tpu.memory_space<vmem>>, vector<1x16xi32>,
      %broadcast_in_dim3A_432 = arith.constant 0 : i32
      %broadcast_in_dim3A_433 = vector.broadcast %broadcast_in_dim3A_432 : i32 to vector<16xi32>
      %swap3A_434 = arith.index_cast %scan3A_235 : i32 to index
      %swap3A_435 = arith.constant 448 : index
      %swap3A_436 = tpu.vector_load %arg3[%swap3A_434, %swap3A_435] {strides = array<i32>} : memref<150x512xi32, #tpu.memory_space<vmem>>, vector<1x16xi32>,
      %swap3A_437 = vector.shape_cast %swap3A_436 : vector<1x16xi32> to vector<16xi32>
      %swap3A_438 = vector.shape_cast %broadcast_in_dim3A_433 : vector<16xi32> to vector<1x16xi32>
      tpu.vector_store %arg3[%swap3A_434, %swap3A_435], %swap3A_438 {strides = array<i32>} : memref<150x512xi32, #tpu.memory_space<vmem>>, vector<1x16xi32>,
      %broadcast_in_dim3A_439 = arith.constant 0 : i32
      %broadcast_in_dim3A_440 = vector.broadcast %broadcast_in_dim3A_439 : i32 to vector<16xi32>
      %swap3A_441 = arith.index_cast %scan3A_235 : i32 to index
      %swap3A_442 = arith.constant 464 : index
      %swap3A_443 = tpu.vector_load %arg3[%swap3A_441, %swap3A_442] {strides = array<i32>} : memref<150x512xi32, #tpu.memory_space<vmem>>, vector<1x16xi32>,
      %swap3A_444 = vector.shape_cast %swap3A_443 : vector<1x16xi32> to vector<16xi32>
      %swap3A_445 = vector.shape_cast %broadcast_in_dim3A_440 : vector<16xi32> to vector<1x16xi32>
      tpu.vector_store %arg3[%swap3A_441, %swap3A_442], %swap3A_445 {strides = array<i32>} : memref<150x512xi32, #tpu.memory_space<vmem>>, vector<1x16xi32>,
      %broadcast_in_dim3A_446 = arith.constant 0 : i32
      %broadcast_in_dim3A_447 = vector.broadcast %broadcast_in_dim3A_446 : i32 to vector<16xi32>
      %swap3A_448 = arith.index_cast %scan3A_235 : i32 to index
      %swap3A_449 = arith.constant 480 : index
      %swap3A_450 = tpu.vector_load %arg3[%swap3A_448, %swap3A_449] {strides = array<i32>} : memref<150x512xi32, #tpu.memory_space<vmem>>, vector<1x16xi32>,
      %swap3A_451 = vector.shape_cast %swap3A_450 : vector<1x16xi32> to vector<16xi32>
      %swap3A_452 = vector.shape_cast %broadcast_in_dim3A_447 : vector<16xi32> to vector<1x16xi32>
      tpu.vector_store %arg3[%swap3A_448, %swap3A_449], %swap3A_452 {strides = array<i32>} : memref<150x512xi32, #tpu.memory_space<vmem>>, vector<1x16xi32>,
      %broadcast_in_dim3A_453 = arith.constant 0 : i32
      %broadcast_in_dim3A_454 = vector.broadcast %broadcast_in_dim3A_453 : i32 to vector<16xi32>
      %swap3A_455 = arith.index_cast %scan3A_235 : i32 to index
      %swap3A_456 = arith.constant 496 : index
      %swap3A_457 = tpu.vector_load %arg3[%swap3A_455, %swap3A_456] {strides = array<i32>} : memref<150x512xi32, #tpu.memory_space<vmem>>, vector<1x16xi32>,
      %swap3A_458 = vector.shape_cast %swap3A_457 : vector<1x16xi32> to vector<16xi32>
      %swap3A_459 = vector.shape_cast %broadcast_in_dim3A_454 : vector<16xi32> to vector<1x16xi32>
      tpu.vector_store %arg3[%swap3A_455, %swap3A_456], %swap3A_459 {strides = array<i32>} : memref<150x512xi32, #tpu.memory_space<vmem>>, vector<1x16xi32>,
      %scan3A_460 = arith.constant 0 : i32
      scf.yield %scan3A_460 : i32
    }
    %scan3A_6 = arith.constant 150 : i32
    %mul3A_7 = arith.constant 512 : i32
    %mul3A_8 = arith.muli %add3A, %mul3A_7 : i32
    "tpu.region"() ({
      %run_scoped3A = tpu.sem_alloc : memref<!tpu.dma_semaphore, #tpu.memory_space<semaphore_mem>>
      %dma_start3A = arith.constant 0 : i32
      %dma_start3A_9 = tpu.memref_slice %arg2[%dma_start3A, %mul3A_8] : memref<150x16384xi32, #tpu.memory_space<hbm>> -> memref<150x512xi32, #tpu.memory_space<hbm>>
      %dma_start3A_10 = arith.constant 0 : i32
      %dma_start3A_11 = tpu.memref_slice %arg2[%dma_start3A_10, %mul3A_8] : memref<150x16384xi32, #tpu.memory_space<hbm>> -> memref<150x512xi32, #tpu.memory_space<hbm>>
      tpu.enqueue_dma source(%arg3 : memref<150x512xi32, #tpu.memory_space<vmem>>) target(%dma_start3A_11 : memref<150x512xi32, #tpu.memory_space<hbm>>) target_semaphore(%run_scoped3A : memref<!tpu.dma_semaphore, #tpu.memory_space<semaphore_mem>>)
      %dma_wait3A = arith.constant 0 : i32
      %dma_wait3A_12 = tpu.memref_slice %arg2[%dma_wait3A, %mul3A_8] : memref<150x16384xi32, #tpu.memory_space<hbm>> -> memref<150x512xi32, #tpu.memory_space<hbm>>
      %dma_wait3A_13 = arith.constant 0 : i32
      %dma_wait3A_14 = tpu.memref_slice %arg2[%dma_wait3A_13, %mul3A_8] : memref<150x16384xi32, #tpu.memory_space<hbm>> -> memref<150x512xi32, #tpu.memory_space<hbm>>
      tpu.wait_dma2 semaphore(%run_scoped3A : memref<!tpu.dma_semaphore, #tpu.memory_space<semaphore_mem>>) src(%arg3 : memref<150x512xi32, #tpu.memory_space<vmem>>) dst(%dma_wait3A_14 : memref<150x512xi32, #tpu.memory_space<hbm>>)
      tpu.yield
    }) : () -> ()
    return
  }
}

module attributes {stable_mosaic.version = 14 : i64} {
  func.func @_tc_body(%arg0: i32, %arg1: memref<150x4096xi32, #tpu.memory_space<vmem>>, %arg2: memref<150x4096xi32, #tpu.memory_space<vmem>>, %arg3: memref<150x4096xi32, #tpu.memory_space<vmem>>) attributes {dimension_semantics = [#tpu.dimension_semantics<arbitrary>], iteration_bounds = array<i64: 4>, scalar_prefetch = 0 : i64, scratch_operands = 0 : i64, tpu.core_type = #tpu.core_type<tc>, window_params = [{transform_indices = @transform_0, window_bounds = array<i64: 150, 4096>}, {transform_indices = @transform_1, window_bounds = array<i64: 150, 4096>}, {transform_indices = @transform_2, window_bounds = array<i64: 150, 4096>}]} {
    %get3A = arith.constant 0 : index
    %get3A_0 = arith.constant 0 : index
    %get3A_1 = vector.load %arg1[%get3A, %get3A_0] : memref<150x4096xi32, #tpu.memory_space<vmem>>, vector<150x4096xi32>
    %swap3A = arith.constant 0 : index
    %swap3A_2 = arith.constant 0 : index
    %swap3A_3 = vector.load %arg2[%swap3A, %swap3A_2] : memref<150x4096xi32, #tpu.memory_space<vmem>>, vector<150x4096xi32>
    tpu.vector_store %arg2[%swap3A, %swap3A_2], %get3A_1 {strides = array<i32>} : memref<150x4096xi32, #tpu.memory_space<vmem>>, vector<150x4096xi32>,
    %eq3A = arith.constant 0 : i32
    %eq3A_4 = vector.broadcast %eq3A : i32 to vector<150x4096xi32>
    %eq3A_5 = arith.cmpi eq, %get3A_1, %eq3A_4 : vector<150x4096xi32>
    %jit3A = arith.constant 0 : i32
    %jit3A_6 = arith.constant 1 : i32
    %broadcast_in_dim3A = vector.broadcast %jit3A : i32 to vector<150x4096xi32>
    %broadcast_in_dim3A_7 = vector.broadcast %jit3A_6 : i32 to vector<150x4096xi32>
    %select_n3A = arith.select %eq3A_5, %broadcast_in_dim3A, %broadcast_in_dim3A_7 : vector<150x4096xi1>, vector<150x4096xi32>
    %swap3A_8 = arith.constant 0 : index
    %swap3A_9 = arith.constant 0 : index
    %swap3A_10 = vector.load %arg3[%swap3A_8, %swap3A_9] : memref<150x4096xi32, #tpu.memory_space<vmem>>, vector<150x4096xi32>
    tpu.vector_store %arg3[%swap3A_8, %swap3A_9], %select_n3A {strides = array<i32>} : memref<150x4096xi32, #tpu.memory_space<vmem>>, vector<150x4096xi32>,
    return
  }
  func.func @transform_0(%arg0: i32) -> (i32, i32) {
    %c0_i32 = arith.constant 0 : i32
    %c0_i32_0 = arith.constant 0 : i32
    return %c0_i32, %arg0 : i32, i32
  }
  func.func @transform_1(%arg0: i32) -> (i32, i32) {
    %c0_i32 = arith.constant 0 : i32
    %c0_i32_0 = arith.constant 0 : i32
    return %c0_i32, %arg0 : i32, i32
  }
  func.func @transform_2(%arg0: i32) -> (i32, i32) {
    %c0_i32 = arith.constant 0 : i32
    %c0_i32_0 = arith.constant 0 : i32
    return %c0_i32, %arg0 : i32, i32
  }
}

</mosaic_0001>

<sc_bundles>
// kernel: kernel.4.cloned.1.call-start
scs
__scs_entry_jumppad:
0x0: {  	(pc) =	sbr.rel $0x88, $3  }
0x1: {  	(tag) =	ssettag $0x0;
	lr =	simm.s32 $0x1  }
0x2: {  	[smem:$0x3FA0] =	sst lr;
	_ =	strace $0xD0000000  }
0x3: {  	_ = 	snop  }
0x4: {  	_ = 	snop  }
0x5: {  	_ = 	snop  }
0x6: {  	_ = 	snop  }
0x7: {  	_ = 	snop  }
__scs_overlays_trampoline_lowered:
0x8: {  	[smem:$0x3FAF] =	sst s0  }
0x9: {  	[smem:$0x3FB0] =	sst s1  }
0xa: {  	[smem:$0x3FB1] =	sst s2  }
0xb: {  	[smem:$0x3FB2] =	sst s3  }
0xc: {  	[smem:$0x3FB3] =	sst s4  }
0xd: {  	[smem:$0x3FB4] =	sst s5  }
0xe: {  	[smem:$0x3FB5] =	sst s6  }
0xf: {  	[smem:$0x3FB6] =	sst s7  }
0x10: {  	[smem:$0x3FB7] =	sst s8  }
0x11: {  	[smem:$0x3FB8] =	sst s9;
	s0 =	simm.s32 @!p0 $0x0  }
0x12: {  	s1 =	sld [smem:$0x3F9E];
	s0 =	simm.s32 @p0 $0x1  }
0x13: {  	[smem:$0x3FB9] =	sst s0;
	s0 =	simm.s32 @!p1 $0x0  }
0x14: {  	s2 =	sld [smem:$0x3F9D];
	s0 =	simm.s32 @p1 $0x1  }
0x15: {  	[smem:$0x3FBA] =	sst s0;
	s0 =	simm.s32 @!p2 $0x0  }
0x16: {  	s3 =	sld [smem:$0x3FDB];
	s0 =	simm.s32 @p2 $0x1  }
0x17: {  	s4 =	simm.s32 $0x1BF5;
	[smem:$0x3FBC] =	sst s0  }
0x18: {  	s0 =	sld [smem:$0x3F9F];
	_ =	swait.ge [sflag:s4], $0x0  }
0x19: {  	s7 =	sld [smem:$0x3FA0]  }
0x1a: {  	s8 =	sadd.s32 $0xFFFFE003, lr  }
0x1b: {  	s9 =	sadd.s32 $0xFFFFFEF7, lr;
	s5 =	simm.s32 $0xFFFFFFFF;
	p2 =	slt.u32 s8, $0xFFFFF086  }
0x1c: {  	p1 =	slt.u32 s9, $0xF7A;
	s5 =	simm.s32 @!p2 $0x0  }
0x1d: {  	s5 =	simm.s32 @p1 $0x1;
	p0 =	seq.s32 s7, s2  }
0x1e: {  	s7 =	smul.u32 @!p0 $0xF7A, s2;
	p2 =	seq.s32 @!p0 s5, $0x0  }
0x1f: {  	s9 =	smul.u32 $0xF7A, s1;
	s8 =	simm.s32 @!p0 $0x1BF5;
	p2 =	por !p2, p0  }
0x20: {  	[sflag:s8] =	ssyncset.s32 @!p0 $0xFFFFF086;
	s6 =	sadd.s32 @!p0 s3, s7;
	s7 =	simm.s32 @!p0 $0x108  }
0x21: {  	s3 =	sadd.s32 s3, s9;
	s6 =	sadd.s32 @!p0 $0x88, s6;
	s7 =	simm.s32 @p2 $0x1082  }
0x22: {  	[simem:s7], [sflag:s8] =	dma.local @!p0 [hbm:s6], $0xF7A  }
0x23: {  	s9 =	sor.u32 $0xD0000000, s2;
	s6 =	simm.s32 $0x108;
	_ =	swait.ge @!p0 [sflag:s8], $0x0  }
0x24: {  	s3 =	sadd.s32 $0x88, s3;
	s6 =	simm.s32 @!p1 $0x1082;
	[sflag:s4] =	ssyncset.s32 $0xFFFFF086  }
0x25: {  	[simem:s6], [sflag:s4] =	dma.local [hbm:s3], $0xF7A  }
0x26: {  	[smem:$0x3FA0] =	sst s1;
	(tag) =	ssettag s2;
	_ =	strace s9  }
0x27: {  	s1 =	sld [smem:$0x3FB0]  }
0x28: {  	s2 =	sld [smem:$0x3FB1]  }
0x29: {  	s4 =	sld [smem:$0x3FB3]  }
0x2a: {  	p0 =	seq.s32 s5, $0x0;
	s5 =	sld [smem:$0x3FB4]  }
0x2b: {  	s6 =	sld [smem:$0x3FB5]  }
0x2c: {  	s7 =	sld [smem:$0x3FB6]  }
0x2d: {  	s3 =	simm.s32 $0x108;
	s8 =	sld [smem:$0x3FB7]  }
0x2e: {  	s3 =	simm.s32 @!p0 $0x1082;
	s9 =	sld [smem:$0x3FB8]  }
0x2f: {  	lr =	sadd.s32 s0, s3;
	s0 =	sld [smem:$0x3FAF]  }
0x30: {  	s3 =	sld [smem:$0x3FB2]  }
0x31: {  	[smem:$0x3FBB] =	sst s10  }
0x32: {  	s10 =	sld [smem:$0x3FB9];
	_ =	sdelay $0x3  }
0x33: {  	p0 =	seq.s32 s10, $0x1;
	s10 =	sld [smem:$0x3FBB];
	_ =	sdelay $0x3  }
0x34: {  	[smem:$0x3FBB] =	sst s10  }
0x35: {  	s10 =	sld [smem:$0x3FBA];
	_ =	sdelay $0x3  }
0x36: {  	p1 =	seq.s32 s10, $0x1;
	s10 =	sld [smem:$0x3FBB];
	_ =	sdelay $0x3  }
0x37: {  	[smem:$0x3FBB] =	sst s10  }
0x38: {  	s10 =	sld [smem:$0x3FBC]  }
0x39: {  	_ = 	snop;
	(pc) =	sbr.ind lr, $3  }
0x3a: {  	_ = 	snop  }
0x3b: {  	_ = 	snop  }
0x3c: {  	p2 =	seq.s32 s10, $0x1;
	s10 =	sld [smem:$0x3FBB]  }
0x3d: {  	_ =	shalt  }
0x3e: {  	_ =	shalt  }
0x3f: {  	_ =	shalt  }
0x40: {  	_ =	shalt  }
0x41: {  	_ =	shalt  }
0x42: {  	_ =	shalt  }
0x43: {  	_ =	shalt  }
0x44: {  	_ =	shalt  }
0x45: {  	_ =	shalt  }
0x46: {  	_ =	shalt  }
0x47: {  	_ =	shalt  }
0x48: {  	_ =	shalt  }
0x49: {  	_ =	shalt  }
0x4a: {  	_ =	shalt  }
0x4b: {  	_ =	shalt  }
0x4c: {  	_ =	shalt  }
0x4d: {  	_ =	shalt  }
0x4e: {  	_ =	shalt  }
0x4f: {  	_ =	shalt  }
0x50: {  	_ =	shalt  }
0x51: {  	_ =	shalt  }
0x52: {  	_ =	shalt  }
0x53: {  	_ =	shalt  }
0x54: {  	_ =	shalt  }
0x55: {  	_ =	shalt  }
0x56: {  	_ =	shalt  }
0x57: {  	_ =	shalt  }
0x58: {  	_ =	shalt  }
0x59: {  	_ =	shalt  }
0x5a: {  	_ =	shalt  }
0x5b: {  	_ =	shalt  }
0x5c: {  	_ =	shalt  }
0x5d: {  	_ =	shalt  }
0x5e: {  	_ =	shalt  }
0x5f: {  	_ =	shalt  }
0x60: {  	_ =	shalt  }
0x61: {  	_ =	shalt  }
0x62: {  	_ =	shalt  }
0x63: {  	_ =	shalt  }
0x64: {  	_ =	shalt  }
0x65: {  	_ =	shalt  }
0x66: {  	_ =	shalt  }
0x67: {  	_ =	shalt  }
0x68: {  	_ =	shalt  }
0x69: {  	_ =	shalt  }
0x6a: {  	_ =	shalt  }
0x6b: {  	_ =	shalt  }
0x6c: {  	_ =	shalt  }
0x6d: {  	_ =	shalt  }
0x6e: {  	_ =	shalt  }
0x6f: {  	_ =	shalt  }
0x70: {  	_ =	shalt  }
0x71: {  	_ =	shalt  }
0x72: {  	_ =	shalt  }
0x73: {  	_ =	shalt  }
0x74: {  	_ =	shalt  }
0x75: {  	_ =	shalt  }
0x76: {  	_ =	shalt  }
0x77: {  	_ =	shalt  }
0x78: {  	_ =	shalt  }
0x79: {  	_ =	shalt  }
0x7a: {  	_ =	shalt  }
0x7b: {  	_ =	shalt  }
0x7c: {  	_ =	shalt  }
0x7d: {  	_ =	shalt  }
0x7e: {  	_ =	shalt  }
0x7f: {  	_ =	shalt  }
0x80: {  	_ =	shalt  }
0x81: {  	_ =	shalt  }
0x82: {  	_ =	shalt  }
0x83: {  	_ =	shalt  }
0x84: {  	_ =	shalt  }
0x85: {  	_ =	shalt  }
0x86: {  	_ =	shalt  }
0x87: {  	_ =	shalt  }
.Lfunc_end0:
.L_simem_size_0:
called_computation_lowered:
.L_overlay_start_0:
0x88: {  	s2 =	sld [smem:$0x3FD9]  }
0x89: {  	s3 =	sld [smem:$0x3FFE];
	_ =	sdelay $0x1  }
0x8a: {  	s1 =	srdreg.scid  }
0x8b: {  	s0 =	sand.u32 $0x1, s1  }
0x8c: {  	s15 =	sshll.u32 s0, $0xA;
	s2 =	sadd.s32 s3, s2  }
0x8d: {  	s2 =	sadd.s32 s2, s15  }
0x8e: {  	[smem:$0x3FC7] =	sst s2  }
0x8f: {  	_ = 	snop  }
0x90: {  	s2 =	sld [smem:$0x3FD0];
	_ =	sdelay $0x2  }
0x91: {  	s16 =	simm.s32 $0xA;
	s4 =	simm.s32 $0x10  }
0x92: {  	[smem:s4], [sflag:s16] =	dma.local [hbm:s2], $0x1  }
0x93: {  	_ =	swait.eq [sflag:s16], $0x1  }
0x94: {  	[sflag:s16] =	ssyncset.done $0x0  }
0x95: {  	[sflag:s16] =	ssyncadd.s32 $0xFFFFFFFF  }
0x96: {  	s17 =	sld [smem:$0x12];
	(tm) =	ssettm $0x1  }
0x97: {  	s18 =	sld [smem:$0x3FFB];
	_ =	sdelay $0x3  }
0x98: {  	_ =	strace s18  }
0x99: {  	s3 =	sld [smem:$0x3FFC];
	_ =	sdelay $0x3  }
0x9a: {  	_ =	strace s3  }
0x9b: {  	s3 =	sld [smem:$0x3FFD];
	_ =	sdelay $0x3  }
0x9c: {  	_ =	strace s3  }
0x9d: {  	_ =	strace $0x8FFFFFFF  }
0x9e: {  	s19 =	sld [smem:$0x3FDB];
	_ =	sdelay $0x1  }
0x9f: {  	s20 =	simm.s32 $_scs_section_size  }
0xa0: {  	s5 =	simm.s32 $_size__tile_overlayer_lowered;
	s6 =	simm.s32 $_tile_overlayer_lowered  }
0xa1: {  	s23 =	simm.s32 $0x1BFF;
	s22 =	sshll.u32 s6, $0x1;
	s3 =	sadd.s32 s20, s19  }
0xa2: {  	s7 =	simm.s32 $0x0;
	s21 =	sshll.u32 s5, $0x1;
	s5 =	sadd.s32 s22, s3  }
0xa3: {  	[timem:s7], [sflag:s23] =	dma.local [hbm:s5], s21  }
0xa4: {  	_ =	swait.ge [sflag:s23], s21  }
0xa5: {  	s4 =	ssub.s32 $0x0, s21;
	[sflag:s23] =	ssyncset.done $0x0  }
0xa6: {  	[sflag:s23] =	ssyncadd.s32 s4;
	_ =	sdelay $0x1  }
0xa7: {  	s24 =	simm.s32 $0x1B8B  }
0xa8: {  	_ =	swait.ge [sflag:s24], $0x1  }
0xa9: {  	[sflag:s24] =	ssyncset.done $0x0  }
0xaa: {  	s25 =	simm.s32 $0x1B8E;
	[sflag:s24] =	ssyncadd.s32 $0xFFFFFFFF  }
0xab: {  	s26 =	simm.s32 $execute0_lowered;
	[smem:$0x3FD2] =	sst s25  }
0xac: {  	s4 =	sshll.u32 s26, $0x1;
	_ =	strace $0x80000046;
	[dreg:$0x1] =	wrdreg $0xFFFFFFFF  }
0xad: {  	s28 =	simm.s32 $_size_execute0_lowered;
	s3 =	sadd.s32 s3, s4;
	[dreg:$0x0] =	wrdreg $0x0  }
0xae: {  	s4 =	sshll.u32 s28, $0x1;
	[dreg:$0x2] =	wrdreg s3  }
0xaf: {  	[dreg:$0x3] =	wrdreg s4  }
0xb0: {  	[dreg:$0x4] =	wrdreg $0xC0  }
0xb1: {  	_ =	task [dreg:s7], $0x5FFFF  }
0xb2: {  	[dreg:$0x1] =	wrdreg $0xFFFFFFFF  }
0xb3: {  	[dreg:$0x0] =	wrdreg $0x60  }
0xb4: {  	[dreg:$0x2] =	wrdreg s17  }
0xb5: {  	[dreg:$0x3] =	wrdreg $0x9  }
0xb6: {  	_ =	task.clear_ibuf [dreg:s7], $0x4FFFF;
	_ =	strace $0x90000046  }
0xb7: {  	s29 =	simm.s32 $0x9;
	_ =	strace $0x80000048  }
0xb8: {  	_ =	swait.ge [sflag:s29], $0x1  }
0xb9: {  	[sflag:s29] =	ssyncadd.s32 $0xFFFFFFFF  }
0xba: {  	_ =	strace $0x90000048  }
0xbb: {  	_ =	sfence  }
0xbc: {  	s30 =	sld [smem:$0x0];
	_ =	sdelay $0x2  }
0xbd: {  	s31 =	sshll.u32 s1, $0xD;
	s1 =	sshrl.u32 s1, $0x2  }
0xbe: {  	s3 =	sand.u32 $0x4000, s31;
	s1 =	sadd.s32 s1, s30  }
0xbf: {  	s0 =	sor.u32 s3, s0;
	s1 =	sshll.u32 s1, $0x11  }
0xc0: {  	s0 =	sor.u32 s1, s0  }
0xc1: {  	s0 =	sadd.s32 $0x8F2B, s0  }
0xc2: {  	[sflag:s0] =	ssyncadd.remote.s32 $0x1  }
0xc3: {  	_ =	sfence.sel $0xFFFF  }
0xc4: {  	[dreg:$0x0] =	wrdreg $0xFFFFFFFF;
	(pc) =	sbr.abs _section_cstart, $3  }
0xc5: {  	[dreg:$0x1] =	wrdreg $0xFFFFFFFF  }
0xc6: {  	_ =	task.clear_ibuf [dreg:s7], $0x2FFFF;
	_ =	strace $0x9FFFFFFF  }
0xc7: {  	(tm) =	ssettm $0x7FFFFFFF  }
tec
execute0_lowered:
.L_overlay_start_1:
0x0: {  	(tag) =	ssettag $0x1  }
0x1: {  	s3 =	rddreg [dreg:$0x0]  }
0x2: {  	s0 =	rddreg [dreg:$0x1]  }
0x3: {  	s1 =	simm.s32 $0x0;
	s2 =	srdreg.scid;
	s7 =	simm.s32 $0x1  }
0x4: {  	s8 =	simm.s32 $0x0;
	[smem:$0x7FF] =	sst s1;
	s4 =	sand.u32 $0x1, s2  }
0x5: {  	s2 =	stileid.u32;
	s5 =	ssub.s32 $0x2, s4;
	s4 =	sshll.u32 s4, $0x9  }
0x6: {  	s31 =	sshll.u32 s2, $0xA;
	s6 =	sshrl.u32 s5, $0x1;
	s3 =	sadd.s32 s3, s4  }
0x7: {  	_ =	strace $0x80000047;
	s5 =	ssub.s32 s5, s6;
	s3 =	sadd.s32 s31, s3  }
0x8: {  	v0 =	vimm.s32 $0x0;
	s6 =	simm.s32 $0x20000;
	s4 =	smax.u32 s5, $0x1;
	s5 =	simm.s32 $0x1000  }
.LBB2_1:
0x9: {  	s9 =	sand.u32 $0x1F000, s1;
	s10 =	sand.u32 $0x300, s1  }
0xa: {  	s9 =	sor.u32 s10, s9  }
0xb: {  	[tilespmem:s9+$0x840] =	vst v0  }
0xc: {  	[tilespmem:s9+$0x850] =	vst v0  }
0xd: {  	[tilespmem:s9+$0x870] =	vst v0  }
0xe: {  	[tilespmem:s9+$0x470] =	vst v0  }
0xf: {  	[tilespmem:s9+$0x860] =	vst v0  }
0x10: {  	[tilespmem:s9+$0x460] =	vst v0  }
0x11: {  	[tilespmem:s9+$0x70] =	vst v0  }
0x12: {  	[tilespmem:s9+$0x450] =	vst v0  }
0x13: {  	[tilespmem:s9+$0x440] =	vst v0  }
0x14: {  	[tilespmem:s9+$0x40] =	vst v0  }
0x15: {  	[tilespmem:s9+$0x60] =	vst v0  }
0x16: {  	[tilespmem:s9+$0x50] =	vst v0  }
0x17: {  	[tilespmem:s9+$0x830] =	vst v0  }
0x18: {  	[tilespmem:s9+$0x820] =	vst v0  }
0x19: {  	[tilespmem:s9+$0x810] =	vst v0  }
0x1a: {  	[tilespmem:s9+$0x800] =	vst v0  }
0x1b: {  	[tilespmem:s9+$0x430] =	vst v0  }
0x1c: {  	[tilespmem:s9+$0x420] =	vst v0  }
0x1d: {  	[tilespmem:s9+$0x400] =	vst v0  }
0x1e: {  	[tilespmem:s9+$0x30] =	vst v0  }
0x1f: {  	s18 =	sand.u32 $0x3, s1;
	[tilespmem:s9+$0x20] =	vst v0  }
0x20: {  	s10 =	sshll.u32 s18, $0x8;
	[tilespmem:s9+$0x10] =	vst v0  }
0x21: {  	s10 =	sadd.s32 $0x0, s10;
	[tilespmem:s9+$0x0] =	vst v0  }
0x22: {  	[tilespmem:s9+$0x410] =	vst v0;
	s11 =	sor.u32 $0xC00, s10  }
0x23: {  	s12 =	sor.u32 $0xC10, s10;
	[tilespmem:s11+$0x0] =	vst v0  }
0x24: {  	s19 =	sor.u32 $0xC20, s10;
	[tilespmem:s12+$0x0] =	vst v0  }
0x25: {  	s20 =	sor.u32 $0xC30, s10;
	[tilespmem:s19+$0x0] =	vst v0  }
0x26: {  	s21 =	sor.u32 $0xC40, s10;
	[tilespmem:s20+$0x0] =	vst v0  }
0x27: {  	s22 =	sor.u32 $0xC50, s10;
	[tilespmem:s21+$0x0] =	vst v0  }
0x28: {  	s23 =	sor.u32 $0xC60, s10;
	[tilespmem:s22+$0x0] =	vst v0  }
0x29: {  	s24 =	sor.u32 $0xC70, s10;
	[tilespmem:s23+$0x0] =	vst v0  }
0x2a: {  	[tilespmem:s24+$0x0] =	vst v0  }
0x2b: {  	[tilespmem:s9+$0x8C0] =	vst v0  }
0x2c: {  	[tilespmem:s9+$0x4C0] =	vst v0  }
0x2d: {  	[tilespmem:s9+$0x8F0] =	vst v0  }
0x2e: {  	[tilespmem:s9+$0xC0] =	vst v0  }
0x2f: {  	[tilespmem:s9+$0x8D0] =	vst v0  }
0x30: {  	[tilespmem:s9+$0x8E0] =	vst v0  }
0x31: {  	[tilespmem:s9+$0x8B0] =	vst v0  }
0x32: {  	[tilespmem:s9+$0x880] =	vst v0  }
0x33: {  	[tilespmem:s9+$0x8A0] =	vst v0  }
0x34: {  	[tilespmem:s9+$0x890] =	vst v0  }
0x35: {  	[tilespmem:s9+$0x4F0] =	vst v0  }
0x36: {  	[tilespmem:s9+$0x4E0] =	vst v0  }
0x37: {  	[tilespmem:s9+$0x4B0] =	vst v0  }
0x38: {  	[tilespmem:s9+$0x4D0] =	vst v0  }
0x39: {  	[tilespmem:s9+$0x490] =	vst v0  }
0x3a: {  	[tilespmem:s9+$0x4A0] =	vst v0  }
0x3b: {  	[tilespmem:s9+$0xE0] =	vst v0  }
0x3c: {  	[tilespmem:s9+$0xB0] =	vst v0  }
0x3d: {  	[tilespmem:s9+$0xF0] =	vst v0  }
0x3e: {  	[tilespmem:s9+$0x480] =	vst v0  }
0x3f: {  	[tilespmem:s9+$0x90] =	vst v0  }
0x40: {  	[tilespmem:s9+$0xD0] =	vst v0  }
0x41: {  	s25 =	sadd.s32 $0x80, s10;
	[tilespmem:s9+$0xA0] =	vst v0  }
0x42: {  	s10 =	sor.u32 $0xC00, s25;
	[tilespmem:s9+$0x80] =	vst v0  }
0x43: {  	s26 =	sor.u32 $0xC10, s25;
	[tilespmem:s10+$0x0] =	vst v0  }
0x44: {  	s28 =	sor.u32 $0xC20, s25;
	[tilespmem:s26+$0x0] =	vst v0  }
0x45: {  	s29 =	sor.u32 $0xC30, s25;
	[tilespmem:s28+$0x0] =	vst v0  }
0x46: {  	s30 =	sor.u32 $0xC40, s25;
	s31 =	sor.u32 $0xC50, s25;
	[tilespmem:s29+$0x0] =	vst v0  }
0x47: {  	s13 =	sor.u32 $0xC60, s25;
	s14 =	sor.u32 $0xC70, s25;
	s11 =	simm.s32 $0x100;
	[tilespmem:s30+$0x0] =	vst v0  }
0x48: {  	s12 =	simm.s32 $0x400;
	s9 =	simm.s32 $0x0;
	s10 =	simm.s32 $0x1;
	[tilespmem:s31+$0x0] =	vst v0  }
.LBB2_2:
0x49: {  	s15 =	sand.u32 $0x1F000, s12;
	s16 =	sand.u32 $0x300, s11;
	s9 =	sadd.s32 $0x2, s9;
	[tilespmem:s13+$0x0] =	vst v0  }
0x4a: {  	s13 =	sor.u32 s16, s15;
	p0 =	slt.u32 s9, $0x94;
	[tilespmem:s14+$0x0] =	vst v0  }
0x4b: {  	[tilespmem:s13+$0x840] =	vst v0  }
0x4c: {  	[tilespmem:s13+$0x850] =	vst v0  }
0x4d: {  	[tilespmem:s13+$0x870] =	vst v0  }
0x4e: {  	[tilespmem:s13+$0x470] =	vst v0  }
0x4f: {  	[tilespmem:s13+$0x860] =	vst v0  }
0x50: {  	[tilespmem:s13+$0x460] =	vst v0  }
0x51: {  	[tilespmem:s13+$0x70] =	vst v0  }
0x52: {  	[tilespmem:s13+$0x450] =	vst v0  }
0x53: {  	s14 =	sand.u32 $0x3, s10;
	[tilespmem:s13+$0x440] =	vst v0  }
0x54: {  	s14 =	sshll.u32 s14, $0x8;
	[tilespmem:s13+$0x40] =	vst v0  }
0x55: {  	s15 =	sadd.s32 s14, s12;
	[tilespmem:s13+$0x60] =	vst v0  }
0x56: {  	s16 =	sor.u32 $0xC00, s15;
	s17 =	sor.u32 $0xC10, s15;
	s14 =	sadd.s32 $0x80, s15;
	[tilespmem:s13+$0x50] =	vst v0  }
0x57: {  	[tilespmem:s13+$0x830] =	vst v0  }
0x58: {  	s18 =	sor.u32 $0xC20, s15;
	[tilespmem:s13+$0x820] =	vst v0  }
0x59: {  	s19 =	sor.u32 $0xC30, s15;
	[tilespmem:s13+$0x810] =	vst v0  }
0x5a: {  	s20 =	sor.u32 $0xC40, s15;
	[tilespmem:s13+$0x800] =	vst v0  }
0x5b: {  	[tilespmem:s13+$0x430] =	vst v0  }
0x5c: {  	[tilespmem:s13+$0x420] =	vst v0  }
0x5d: {  	[tilespmem:s13+$0x400] =	vst v0  }
0x5e: {  	[tilespmem:s13+$0x30] =	vst v0  }
0x5f: {  	[tilespmem:s13+$0x20] =	vst v0  }
0x60: {  	[tilespmem:s13+$0x10] =	vst v0  }
0x61: {  	[tilespmem:s13+$0x0] =	vst v0  }
0x62: {  	s21 =	sor.u32 $0xC60, s15;
	[tilespmem:s13+$0x410] =	vst v0  }
0x63: {  	[tilespmem:s16+$0x0] =	vst v0  }
0x64: {  	[tilespmem:s17+$0x0] =	vst v0  }
0x65: {  	[tilespmem:s18+$0x0] =	vst v0  }
0x66: {  	[tilespmem:s19+$0x0] =	vst v0  }
0x67: {  	s16 =	sor.u32 $0xC50, s15;
	[tilespmem:s20+$0x0] =	vst v0  }
0x68: {  	[tilespmem:s16+$0x0] =	vst v0  }
0x69: {  	s15 =	sor.u32 $0xC70, s15;
	[tilespmem:s21+$0x0] =	vst v0  }
0x6a: {  	[tilespmem:s15+$0x0] =	vst v0  }
0x6b: {  	[tilespmem:s13+$0x8C0] =	vst v0  }
0x6c: {  	[tilespmem:s13+$0x4C0] =	vst v0  }
0x6d: {  	[tilespmem:s13+$0x8F0] =	vst v0  }
0x6e: {  	[tilespmem:s13+$0xC0] =	vst v0  }
0x6f: {  	[tilespmem:s13+$0x8D0] =	vst v0  }
0x70: {  	[tilespmem:s13+$0x8E0] =	vst v0  }
0x71: {  	[tilespmem:s13+$0x8B0] =	vst v0  }
0x72: {  	[tilespmem:s13+$0x880] =	vst v0  }
0x73: {  	[tilespmem:s13+$0x8A0] =	vst v0  }
0x74: {  	[tilespmem:s13+$0x890] =	vst v0  }
0x75: {  	[tilespmem:s13+$0x4F0] =	vst v0  }
0x76: {  	[tilespmem:s13+$0x4E0] =	vst v0  }
0x77: {  	[tilespmem:s13+$0x4B0] =	vst v0  }
0x78: {  	[tilespmem:s13+$0x4D0] =	vst v0  }
0x79: {  	[tilespmem:s13+$0x490] =	vst v0  }
0x7a: {  	[tilespmem:s13+$0x4A0] =	vst v0  }
0x7b: {  	[tilespmem:s13+$0xE0] =	vst v0  }
0x7c: {  	[tilespmem:s13+$0xB0] =	vst v0  }
0x7d: {  	[tilespmem:s13+$0xF0] =	vst v0  }
0x7e: {  	[tilespmem:s13+$0x480] =	vst v0  }
0x7f: {  	[tilespmem:s13+$0x90] =	vst v0  }
0x80: {  	[tilespmem:s13+$0xD0] =	vst v0  }
0x81: {  	s15 =	sor.u32 $0xC00, s14;
	[tilespmem:s13+$0xA0] =	vst v0  }
0x82: {  	[tilespmem:s13+$0x80] =	vst v0;
	s13 =	sor.u32 $0xC10, s14  }
0x83: {  	[tilespmem:s15+$0x0] =	vst v0;
	s15 =	sor.u32 $0xC20, s14  }
.Ltmp0:
0x84: {  	[tilespmem:s13+$0x0] =	vst v0;
	s13 =	sor.u32 $0xC30, s14;
	(pc) =	sbr.rel @p0 .LBB2_2-.Ltmp0, $4  }
0x85: {  	[tilespmem:s15+$0x0] =	vst v0;
	s15 =	sor.u32 $0xC40, s14  }
0x86: {  	s16 =	sor.u32 $0xC50, s14;
	[tilespmem:s13+$0x0] =	vst v0  }
0x87: {  	s10 =	sadd.s32 $0x1, s10;
	s13 =	sor.u32 $0xC60, s14;
	[tilespmem:s15+$0x0] =	vst v0  }
0x88: {  	s11 =	sadd.s32 $0x100, s11;
	s12 =	sadd.s32 $0x400, s12;
	s14 =	sor.u32 $0xC70, s14;
	[tilespmem:s16+$0x0] =	vst v0  }
0x89: {  	s8 =	sadd.s32 $0x1, s8  }
0x8a: {  	[tilespmem:s13+$0x0] =	vst v0;
	p0 =	sne.s32 s8, s4  }
.Ltmp1:
0x8b: {  	[tilespmem:s14+$0x0] =	vst v0;
	(pc) =	sbr.rel @p0 .LBB2_1-.Ltmp1, $4  }
0x8c: {  	[hbm4b:s3+s5] =	stream.strided.scatter [tilespmem:s1], [sflag:$0x1], $0x13000, s6, s5, $0x38;
	[tilespmem:$0x13000] =	vst v63  }
0x8d: {  	_ =	swait.ge [sflag:s7], $0x13000  }
0x8e: {  	[sflag:s7] =	ssyncset.done $0x0  }
0x8f: {  	[sflag:s7] =	ssyncadd.s32 $0xFFFED000  }
0x90: {  	_ =	sfence.sel $0x180000  }
0x91: {  	[bflag:$0x0] =	sbarrier.arrive $0xFFFF  }
0x92: {  	p0 =	sne.s32 s2, $0x0;
	_ =	strace $0x90000047  }
0x93: {  	s0 =	sadd.s32 @!p0 $0x100000, s0;
	[bflag:$0x2] =	sbarrier.arrive $0xFFFF  }
0x94: {  	[sflag:s0] =	ssyncadd.tile.s32 @!p0 $0x1;
	_ =	shalt  }
.Lfunc_end2:
_tile_overlayer_lowered:
.L_overlay_start_2:
0x95: {  	(tag) =	ssettag $0x2  }
0x96: {  	s0 =	rddreg [dreg:$0x0];
	s2 =	stileid.u32  }
0x97: {  	s1 =	rddreg [dreg:$0x1];
	p0 =	sne.s32 s2, $0x0  }
0x98: {  	s3 =	rddreg [dreg:$0x2];
	[bflag:$0x3] =	sbarrier.arrive $0xFFFF;
	s2 =	simm.s32 @!p0 $0x1C01  }
0x99: {  	[timem:s3], [sflag:s2] =	dma.local @!p0 [hbm:s0], s1  }
0x9a: {  	s0 =	simm.s32 @!p0 $0x1  }
0x9b: {  	_ =	swait.ge @!p0 [sflag:s0], s1  }
0x9c: {  	s1 =	ssub.s32 @!p0 $0x0, s1;
	[sflag:s0] =	ssyncset.done @!p0 $0x0  }
0x9d: {  	[sflag:s0] =	ssyncadd.s32 @!p0 s1  }
0x9e: {  	[bflag:$0x3] =	sbarrier.arrive $0xFFFF  }
0x9f: {  	_ =	shalt  }

</sc_bundles>
